<compile_context>
chip_gen: v7x
topology: tpu7x:2x2x1
jax: 0.10.2.dev20260603
libtpu: 0.0.44.dev20260713+nightly
codegen_flags: <defaults>
</compile_context>

<pallas_src>
import functools

import jax
import jax.numpy as jnp
from jax import lax
from jax.experimental import pallas as pl
from jax.experimental.pallas import tpu as pltpu
from jax.experimental.pallas import tpu_sc as plsc

_COMPLEMENT = (0, 1, 2, 3, 4, 5, 6, 10, 9, 8, 7, 11)


def _table_body(reps, w_ref, out_ref):
    w = w_ref[...]
    d = w.shape[1]
    rc = jnp.concatenate([w_ref[c:c + 1, :] for c in _COMPLEMENT], axis=0)
    ri = lax.broadcasted_iota(jnp.int32, (d, d), 0)
    ci = lax.broadcasted_iota(jnp.int32, (d, d), 1)
    rev = jnp.where(ri + ci == d - 1, 1.0, 0.0).astype(w.dtype)
    fused = jnp.concatenate(
        [w, jnp.dot(rc, rev, preferred_element_type=jnp.float32,
                    precision=lax.Precision.HIGHEST)], axis=1
    )
    v = w.shape[0]
    for r in range(reps):
        out_ref[pl.ds(r * v, v), :] = fused


def _build_table(W, reps):
    v, d = W.shape
    return pl.pallas_call(
        functools.partial(_table_body, reps),
        out_shape=jax.ShapeDtypeStruct((reps * v, 2 * d), W.dtype),
    )(W)


@functools.lru_cache(maxsize=None)
def _make_gather(n, v, d2):
    info = plsc.get_sparse_core_info()
    nc, ns = info.num_cores, info.num_subcores
    nw = nc * ns
    per_w = n // nw
    assert per_w * nw == n
    chunk = 64
    nch = per_w // chunk
    assert nch * chunk == per_w
    npairs = nch // 2
    assert npairs * 2 == nch
    mesh = plsc.VectorSubcoreMesh(core_axis_name="c", subcore_axis_name="s")

    @functools.partial(
        pl.kernel,
        mesh=mesh,
        out_type=jax.ShapeDtypeStruct((n, d2), jnp.float32),
        scratch_types=[
            pltpu.VMEM((per_w,), jnp.int32),
            pltpu.VMEM((chunk, d2), jnp.float32),
            pltpu.VMEM((chunk, d2), jnp.float32),
            pltpu.SemaphoreType.DMA,
            pltpu.SemaphoreType.DMA,
            pltpu.SemaphoreType.DMA,
            pltpu.SemaphoreType.DMA,
        ],
    )
    def gk(table_hbm, idx_hbm, out_hbm, idx_v, buf0, buf1, sg0, sg1, sw0, sw1):
        wid = lax.axis_index("s") * nc + lax.axis_index("c")
        base = wid * per_w
        pltpu.sync_copy(idx_hbm.at[pl.ds(base, per_w)], idx_v)

        off = wid * v

        def obody(t, carry):
            sl = pl.ds(t * 16, 16)
            idx_v[sl] = idx_v[sl] + off
            return carry

        lax.fori_loop(0, per_w // 16, obody, 0, unroll=8)

        def g_start(j, buf, sem):
            pltpu.async_copy(
                table_hbm.at[idx_v.at[pl.ds(j * chunk, chunk)]], buf, sem
            )

        def g_wait(buf, sem):
            pltpu.make_async_copy(
                table_hbm.at[idx_v.at[pl.ds(0, chunk)]], buf, sem
            ).wait()

        def w_start(j, buf, sem):
            pltpu.async_copy(buf, out_hbm.at[pl.ds(base + j * chunk, chunk)], sem)

        def w_wait(buf, sem):
            pltpu.make_async_copy(buf, out_hbm.at[pl.ds(base, chunk)], sem).wait()

        g_start(0, buf0, sg0)
        g_start(1, buf1, sg1)

        def body(i, carry):
            j0 = 2 * i
            g_wait(buf0, sg0)
            w_start(j0, buf0, sw0)
            g_wait(buf1, sg1)
            w_start(j0 + 1, buf1, sw1)

            @pl.when(i + 1 < npairs)
            def _():
                w_wait(buf0, sw0)
                g_start(j0 + 2, buf0, sg0)
                w_wait(buf1, sw1)
                g_start(j0 + 3, buf1, sg1)

            return carry

        lax.fori_loop(0, npairs, body, 0)
        w_wait(buf0, sw0)
        w_wait(buf1, sw1)

    return gk


def kernel(input_ids, W):
    b, l = input_ids.shape
    v, d = W.shape
    info = plsc.get_sparse_core_info()
    nw = info.num_cores * info.num_subcores
    table = _build_table(W, nw)
    ids = input_ids.reshape(b * l)
    out = _make_gather(b * l, v, 2 * d)(table, ids)
    return out.reshape(b, l, 2 * d)

# --- scband reference (transcript-rebuilt; emitter-appended) ---
"""Pipeline reference for scband-rcpsembedding-395136991328 (READ-ONLY COPY).

The authoritative reference and input builder live on the scoring server;
editing this copy changes nothing except your own understanding.
"""

import jax, jax.numpy as jnp
import numpy as np

VOCAB = 12
D_MODEL = 256
B = 8
L = 8192
COMPLEMENT_MAP = [0, 1, 2, 3, 4, 5, 6, 10, 9, 8, 7, 11]


def setup_inputs(seed: int = 0) -> dict:
    key = jax.random.key(seed)
    k1, k2 = jax.random.split(key)
    input_ids = jax.random.randint(k1, (B, L), 0, VOCAB, dtype=jnp.int32)
    # learned embedding table (nn.Embed default init ~ normal(stddev=1) scaled; use small normal)
    W = jax.random.normal(k2, (VOCAB, D_MODEL), dtype=jnp.float32) * 0.02
    return {"input_ids": input_ids, "W": W}


def reference(input_ids, W):
    # sense strand embedding
    sense = jnp.take(W, input_ids, axis=0)  # (B, L, D)
    # reverse-complement the token ids: complement map then flip along sequence
    cmap = jnp.array(COMPLEMENT_MAP, dtype=input_ids.dtype)
    rc_ids = jnp.flip(cmap[input_ids], axis=-1)  # (B, L)
    # antisense: embed RC ids, then RC-conjugate (flip seq axis -2 and channel axis -1)
    antisense = jnp.flip(jnp.take(W, rc_ids, axis=0), axis=(-2, -1))  # (B, L, D)
    return jnp.concatenate([sense, antisense], axis=-1)  # (B, L, 2*D)

if __name__ == "__main__":
    import jax
    _d = setup_inputs()
    print(jax.jit(kernel)(*tuple(_d.values())))

</pallas_src>

<mosaic_0001>
#map = affine_map<(d0, d1) -> (0, 0)>
#map1 = affine_map<(d0, d1) -> (0)>
module attributes {stable_mosaic.version = 14 : i64} {
  func.func @gk(%arg0: i32, %arg1: i32, %arg2: memref<384x512xf32, #tpu.memory_space<hbm>>, %arg3: memref<65536xi32, #tpu.memory_space<hbm>>, %arg4: memref<65536x512xf32, #tpu.memory_space<hbm>>, %arg5: memref<2048xi32, #tpu.memory_space<vmem>>, %arg6: memref<64x512xf32, #tpu.memory_space<vmem>>, %arg7: memref<64x512xf32, #tpu.memory_space<vmem>>, %arg8: memref<!tpu.dma_semaphore, #tpu.memory_space<semaphore_mem>>, %arg9: memref<!tpu.dma_semaphore, #tpu.memory_space<semaphore_mem>>, %arg10: memref<!tpu.dma_semaphore, #tpu.memory_space<semaphore_mem>>, %arg11: memref<!tpu.dma_semaphore, #tpu.memory_space<semaphore_mem>>) attributes {dimension_semantics = [#tpu.dimension_semantics<core_parallel>, #tpu.dimension_semantics<subcore_parallel>], iteration_bounds = array<i64: 2, 16>, scalar_prefetch = 0 : i64, scratch_operands = 7 : i64, tpu.core_type = #tpu.core_type<sc_vector_subcore>, window_params = [{transform_indices = #map}, {transform_indices = #map1}, {transform_indices = #map}]} {
    %mul3A = arith.constant 2 : i32
    %mul3A_0 = arith.muli %arg1, %mul3A : i32
    %add3A = arith.addi %mul3A_0, %arg0 : i32
    %mul3A_1 = arith.constant 2048 : i32
    %mul3A_2 = arith.muli %add3A, %mul3A_1 : i32
    "tpu.region"() ({
      %run_scoped3A = tpu.sem_alloc : memref<!tpu.dma_semaphore, #tpu.memory_space<semaphore_mem>>
      %dma_start3A_32 = tpu.memref_slice %arg3[%mul3A_2] : memref<65536xi32, #tpu.memory_space<hbm>> -> memref<2048xi32, #tpu.memory_space<hbm>>
      %dma_start3A_33 = tpu.memref_slice %arg3[%mul3A_2] : memref<65536xi32, #tpu.memory_space<hbm>> -> memref<2048xi32, #tpu.memory_space<hbm>>
      tpu.enqueue_dma source(%dma_start3A_33 : memref<2048xi32, #tpu.memory_space<hbm>>) target(%arg5 : memref<2048xi32, #tpu.memory_space<vmem>>) target_semaphore(%run_scoped3A : memref<!tpu.dma_semaphore, #tpu.memory_space<semaphore_mem>>)
      %dma_wait3A_34 = tpu.memref_slice %arg3[%mul3A_2] : memref<65536xi32, #tpu.memory_space<hbm>> -> memref<2048xi32, #tpu.memory_space<hbm>>
      %dma_wait3A_35 = tpu.memref_slice %arg3[%mul3A_2] : memref<65536xi32, #tpu.memory_space<hbm>> -> memref<2048xi32, #tpu.memory_space<hbm>>
      tpu.wait_dma2 semaphore(%run_scoped3A : memref<!tpu.dma_semaphore, #tpu.memory_space<semaphore_mem>>) src(%dma_wait3A_35 : memref<2048xi32, #tpu.memory_space<hbm>>) dst(%arg5 : memref<2048xi32, #tpu.memory_space<vmem>>)
      tpu.yield
    }) : () -> ()
    %mul3A_3 = arith.constant 12 : i32
    %mul3A_4 = arith.muli %add3A, %mul3A_3 : i32
    %scan3A = arith.constant 0 : i32
    %scan3A_5 = arith.constant 0 : i32
    %scan3A_6 = arith.constant 128 : i32
    %scan3A_7 = arith.addi %scan3A_5, %scan3A_6 : i32
    %scan3A_8 = arith.constant 8 : i32
    scf.for %scan3A_32 = %scan3A_5 to %scan3A_7 step %scan3A_8  : i32 {
      %mul3A_33 = arith.constant 16 : i32
      %mul3A_34 = arith.muli %scan3A_32, %mul3A_33 : i32
      %get3A = arith.index_cast %mul3A_34 : i32 to index
      %get3A_35 = tpu.vector_load %arg5[%get3A] {strides = array<i32>} : memref<2048xi32, #tpu.memory_space<vmem>>, vector<16xi32>,
      %get3A_36 = vector.shape_cast %get3A_35 : vector<16xi32> to vector<16xi32>
      %add3A_37 = vector.broadcast %mul3A_4 : i32 to vector<16xi32>
      %add3A_38 = arith.addi %get3A_36, %add3A_37 : vector<16xi32>
      %swap3A = arith.index_cast %mul3A_34 : i32 to index
      %swap3A_39 = tpu.vector_load %arg5[%swap3A] {strides = array<i32>} : memref<2048xi32, #tpu.memory_space<vmem>>, vector<16xi32>,
      %swap3A_40 = vector.shape_cast %swap3A_39 : vector<16xi32> to vector<16xi32>
      %swap3A_41 = vector.shape_cast %add3A_38 : vector<16xi32> to vector<16xi32>
      tpu.vector_store %arg5[%swap3A], %swap3A_41 {strides = array<i32>} : memref<2048xi32, #tpu.memory_space<vmem>>, vector<16xi32>,
      %scan3A_42 = arith.constant 1 : i32
      %scan3A_43 = arith.addi %scan3A_32, %scan3A_42 : i32
      %mul3A_44 = arith.constant 16 : i32
      %mul3A_45 = arith.muli %scan3A_43, %mul3A_44 : i32
      %get3A_46 = arith.index_cast %mul3A_45 : i32 to index
      %get3A_47 = tpu.vector_load %arg5[%get3A_46] {strides = array<i32>} : memref<2048xi32, #tpu.memory_space<vmem>>, vector<16xi32>,
      %get3A_48 = vector.shape_cast %get3A_47 : vector<16xi32> to vector<16xi32>
      %add3A_49 = vector.broadcast %mul3A_4 : i32 to vector<16xi32>
      %add3A_50 = arith.addi %get3A_48, %add3A_49 : vector<16xi32>
      %swap3A_51 = arith.index_cast %mul3A_45 : i32 to index
      %swap3A_52 = tpu.vector_load %arg5[%swap3A_51] {strides = array<i32>} : memref<2048xi32, #tpu.memory_space<vmem>>, vector<16xi32>,
      %swap3A_53 = vector.shape_cast %swap3A_52 : vector<16xi32> to vector<16xi32>
      %swap3A_54 = vector.shape_cast %add3A_50 : vector<16xi32> to vector<16xi32>
      tpu.vector_store %arg5[%swap3A_51], %swap3A_54 {strides = array<i32>} : memref<2048xi32, #tpu.memory_space<vmem>>, vector<16xi32>,
      %scan3A_55 = arith.constant 2 : i32
      %scan3A_56 = arith.addi %scan3A_32, %scan3A_55 : i32
      %mul3A_57 = arith.constant 16 : i32
      %mul3A_58 = arith.muli %scan3A_56, %mul3A_57 : i32
      %get3A_59 = arith.index_cast %mul3A_58 : i32 to index
      %get3A_60 = tpu.vector_load %arg5[%get3A_59] {strides = array<i32>} : memref<2048xi32, #tpu.memory_space<vmem>>, vector<16xi32>,
      %get3A_61 = vector.shape_cast %get3A_60 : vector<16xi32> to vector<16xi32>
      %add3A_62 = vector.broadcast %mul3A_4 : i32 to vector<16xi32>
      %add3A_63 = arith.addi %get3A_61, %add3A_62 : vector<16xi32>
      %swap3A_64 = arith.index_cast %mul3A_58 : i32 to index
      %swap3A_65 = tpu.vector_load %arg5[%swap3A_64] {strides = array<i32>} : memref<2048xi32, #tpu.memory_space<vmem>>, vector<16xi32>,
      %swap3A_66 = vector.shape_cast %swap3A_65 : vector<16xi32> to vector<16xi32>
      %swap3A_67 = vector.shape_cast %add3A_63 : vector<16xi32> to vector<16xi32>
      tpu.vector_store %arg5[%swap3A_64], %swap3A_67 {strides = array<i32>} : memref<2048xi32, #tpu.memory_space<vmem>>, vector<16xi32>,
      %scan3A_68 = arith.constant 3 : i32
      %scan3A_69 = arith.addi %scan3A_32, %scan3A_68 : i32
      %mul3A_70 = arith.constant 16 : i32
      %mul3A_71 = arith.muli %scan3A_69, %mul3A_70 : i32
      %get3A_72 = arith.index_cast %mul3A_71 : i32 to index
      %get3A_73 = tpu.vector_load %arg5[%get3A_72] {strides = array<i32>} : memref<2048xi32, #tpu.memory_space<vmem>>, vector<16xi32>,
      %get3A_74 = vector.shape_cast %get3A_73 : vector<16xi32> to vector<16xi32>
      %add3A_75 = vector.broadcast %mul3A_4 : i32 to vector<16xi32>
      %add3A_76 = arith.addi %get3A_74, %add3A_75 : vector<16xi32>
      %swap3A_77 = arith.index_cast %mul3A_71 : i32 to index
      %swap3A_78 = tpu.vector_load %arg5[%swap3A_77] {strides = array<i32>} : memref<2048xi32, #tpu.memory_space<vmem>>, vector<16xi32>,
      %swap3A_79 = vector.shape_cast %swap3A_78 : vector<16xi32> to vector<16xi32>
      %swap3A_80 = vector.shape_cast %add3A_76 : vector<16xi32> to vector<16xi32>
      tpu.vector_store %arg5[%swap3A_77], %swap3A_80 {strides = array<i32>} : memref<2048xi32, #tpu.memory_space<vmem>>, vector<16xi32>,
      %scan3A_81 = arith.constant 4 : i32
      %scan3A_82 = arith.addi %scan3A_32, %scan3A_81 : i32
      %mul3A_83 = arith.constant 16 : i32
      %mul3A_84 = arith.muli %scan3A_82, %mul3A_83 : i32
      %get3A_85 = arith.index_cast %mul3A_84 : i32 to index
      %get3A_86 = tpu.vector_load %arg5[%get3A_85] {strides = array<i32>} : memref<2048xi32, #tpu.memory_space<vmem>>, vector<16xi32>,
      %get3A_87 = vector.shape_cast %get3A_86 : vector<16xi32> to vector<16xi32>
      %add3A_88 = vector.broadcast %mul3A_4 : i32 to vector<16xi32>
      %add3A_89 = arith.addi %get3A_87, %add3A_88 : vector<16xi32>
      %swap3A_90 = arith.index_cast %mul3A_84 : i32 to index
      %swap3A_91 = tpu.vector_load %arg5[%swap3A_90] {strides = array<i32>} : memref<2048xi32, #tpu.memory_space<vmem>>, vector<16xi32>,
      %swap3A_92 = vector.shape_cast %swap3A_91 : vector<16xi32> to vector<16xi32>
      %swap3A_93 = vector.shape_cast %add3A_89 : vector<16xi32> to vector<16xi32>
      tpu.vector_store %arg5[%swap3A_90], %swap3A_93 {strides = array<i32>} : memref<2048xi32, #tpu.memory_space<vmem>>, vector<16xi32>,
      %scan3A_94 = arith.constant 5 : i32
      %scan3A_95 = arith.addi %scan3A_32, %scan3A_94 : i32
      %mul3A_96 = arith.constant 16 : i32
      %mul3A_97 = arith.muli %scan3A_95, %mul3A_96 : i32
      %get3A_98 = arith.index_cast %mul3A_97 : i32 to index
      %get3A_99 = tpu.vector_load %arg5[%get3A_98] {strides = array<i32>} : memref<2048xi32, #tpu.memory_space<vmem>>, vector<16xi32>,
      %get3A_100 = vector.shape_cast %get3A_99 : vector<16xi32> to vector<16xi32>
      %add3A_101 = vector.broadcast %mul3A_4 : i32 to vector<16xi32>
      %add3A_102 = arith.addi %get3A_100, %add3A_101 : vector<16xi32>
      %swap3A_103 = arith.index_cast %mul3A_97 : i32 to index
      %swap3A_104 = tpu.vector_load %arg5[%swap3A_103] {strides = array<i32>} : memref<2048xi32, #tpu.memory_space<vmem>>, vector<16xi32>,
      %swap3A_105 = vector.shape_cast %swap3A_104 : vector<16xi32> to vector<16xi32>
      %swap3A_106 = vector.shape_cast %add3A_102 : vector<16xi32> to vector<16xi32>
      tpu.vector_store %arg5[%swap3A_103], %swap3A_106 {strides = array<i32>} : memref<2048xi32, #tpu.memory_space<vmem>>, vector<16xi32>,
      %scan3A_107 = arith.constant 6 : i32
      %scan3A_108 = arith.addi %scan3A_32, %scan3A_107 : i32
      %mul3A_109 = arith.constant 16 : i32
      %mul3A_110 = arith.muli %scan3A_108, %mul3A_109 : i32
      %get3A_111 = arith.index_cast %mul3A_110 : i32 to index
      %get3A_112 = tpu.vector_load %arg5[%get3A_111] {strides = array<i32>} : memref<2048xi32, #tpu.memory_space<vmem>>, vector<16xi32>,
      %get3A_113 = vector.shape_cast %get3A_112 : vector<16xi32> to vector<16xi32>
      %add3A_114 = vector.broadcast %mul3A_4 : i32 to vector<16xi32>
      %add3A_115 = arith.addi %get3A_113, %add3A_114 : vector<16xi32>
      %swap3A_116 = arith.index_cast %mul3A_110 : i32 to index
      %swap3A_117 = tpu.vector_load %arg5[%swap3A_116] {strides = array<i32>} : memref<2048xi32, #tpu.memory_space<vmem>>, vector<16xi32>,
      %swap3A_118 = vector.shape_cast %swap3A_117 : vector<16xi32> to vector<16xi32>
      %swap3A_119 = vector.shape_cast %add3A_115 : vector<16xi32> to vector<16xi32>
      tpu.vector_store %arg5[%swap3A_116], %swap3A_119 {strides = array<i32>} : memref<2048xi32, #tpu.memory_space<vmem>>, vector<16xi32>,
      %scan3A_120 = arith.constant 7 : i32
      %scan3A_121 = arith.addi %scan3A_32, %scan3A_120 : i32
      %mul3A_122 = arith.constant 16 : i32
      %mul3A_123 = arith.muli %scan3A_121, %mul3A_122 : i32
      %get3A_124 = arith.index_cast %mul3A_123 : i32 to index
      %get3A_125 = tpu.vector_load %arg5[%get3A_124] {strides = array<i32>} : memref<2048xi32, #tpu.memory_space<vmem>>, vector<16xi32>,
      %get3A_126 = vector.shape_cast %get3A_125 : vector<16xi32> to vector<16xi32>
      %add3A_127 = vector.broadcast %mul3A_4 : i32 to vector<16xi32>
      %add3A_128 = arith.addi %get3A_126, %add3A_127 : vector<16xi32>
      %swap3A_129 = arith.index_cast %mul3A_123 : i32 to index
      %swap3A_130 = tpu.vector_load %arg5[%swap3A_129] {strides = array<i32>} : memref<2048xi32, #tpu.memory_space<vmem>>, vector<16xi32>,
      %swap3A_131 = vector.shape_cast %swap3A_130 : vector<16xi32> to vector<16xi32>
      %swap3A_132 = vector.shape_cast %add3A_128 : vector<16xi32> to vector<16xi32>
      tpu.vector_store %arg5[%swap3A_129], %swap3A_132 {strides = array<i32>} : memref<2048xi32, #tpu.memory_space<vmem>>, vector<16xi32>,
    }
    %scan3A_9 = arith.constant 128 : i32
    %dma_start3A = arith.constant 0 : i32
    %dma_start3A_10 = tpu.memref_slice %arg5[%dma_start3A] : memref<2048xi32, #tpu.memory_space<vmem>> -> memref<64xi32, #tpu.memory_space<vmem>>
    %dma_start3A_11 = arith.constant 0 : i32
    %dma_start3A_12 = arith.constant 0 : i32
    %dma_start3A_13 = tpu.memref_slice %arg2[%dma_start3A_11, %dma_start3A_12] : memref<384x512xf32, #tpu.memory_space<hbm>> -> memref<384x512xf32, #tpu.memory_space<hbm>>
    tpu.enqueue_indirect_dma source(%dma_start3A_13 : memref<384x512xf32, #tpu.memory_space<hbm>>) target(%arg6 : memref<64x512xf32, #tpu.memory_space<vmem>>) offsets(%dma_start3A_10 : memref<64xi32, #tpu.memory_space<vmem>>) semaphore(%arg8 : memref<!tpu.dma_semaphore, #tpu.memory_space<semaphore_mem>>)
    %dma_start3A_14 = arith.constant 64 : i32
    %dma_start3A_15 = tpu.memref_slice %arg5[%dma_start3A_14] : memref<2048xi32, #tpu.memory_space<vmem>> -> memref<64xi32, #tpu.memory_space<vmem>>
    %dma_start3A_16 = arith.constant 0 : i32
    %dma_start3A_17 = arith.constant 0 : i32
    %dma_start3A_18 = tpu.memref_slice %arg2[%dma_start3A_16, %dma_start3A_17] : memref<384x512xf32, #tpu.memory_space<hbm>> -> memref<384x512xf32, #tpu.memory_space<hbm>>
    tpu.enqueue_indirect_dma source(%dma_start3A_18 : memref<384x512xf32, #tpu.memory_space<hbm>>) target(%arg7 : memref<64x512xf32, #tpu.memory_space<vmem>>) offsets(%dma_start3A_15 : memref<64xi32, #tpu.memory_space<vmem>>) semaphore(%arg9 : memref<!tpu.dma_semaphore, #tpu.memory_space<semaphore_mem>>)
    %scan3A_19 = arith.constant 0 : i32
    %scan3A_20 = arith.constant 0 : i32
    %scan3A_21 = arith.constant 16 : i32
    %scan3A_22 = arith.addi %scan3A_20, %scan3A_21 : i32
    %scan3A_23 = arith.constant 1 : i32
    scf.for %scan3A_32 = %scan3A_20 to %scan3A_22 step %scan3A_23  : i32 {
      %mul3A_33 = arith.constant 2 : i32
      %mul3A_34 = arith.muli %mul3A_33, %scan3A_32 : i32
      %dma_wait3A_35 = arith.constant 0 : i32
      %dma_wait3A_36 = tpu.memref_slice %arg5[%dma_wait3A_35] : memref<2048xi32, #tpu.memory_space<vmem>> -> memref<64xi32, #tpu.memory_space<vmem>>
      %dma_wait3A_37 = arith.constant 0 : i32
      %dma_wait3A_38 = arith.constant 0 : i32
      %dma_wait3A_39 = tpu.memref_slice %arg2[%dma_wait3A_37, %dma_wait3A_38] : memref<384x512xf32, #tpu.memory_space<hbm>> -> memref<384x512xf32, #tpu.memory_space<hbm>>
      tpu.wait_indirect_dma semaphore(%arg8 : memref<!tpu.dma_semaphore, #tpu.memory_space<semaphore_mem>>) src(%dma_wait3A_39 : memref<384x512xf32, #tpu.memory_space<hbm>>) dst(%arg6 : memref<64x512xf32, #tpu.memory_space<vmem>>)
      %mul3A_40 = arith.constant 64 : i32
      %mul3A_41 = arith.muli %mul3A_34, %mul3A_40 : i32
      %add3A_42 = arith.addi %mul3A_2, %mul3A_41 : i32
      %dma_start3A_43 = arith.constant 0 : i32
      %dma_start3A_44 = tpu.memref_slice %arg4[%add3A_42, %dma_start3A_43] : memref<65536x512xf32, #tpu.memory_space<hbm>> -> memref<64x512xf32, #tpu.memory_space<hbm>>
      %dma_start3A_45 = arith.constant 0 : i32
      %dma_start3A_46 = tpu.memref_slice %arg4[%add3A_42, %dma_start3A_45] : memref<65536x512xf32, #tpu.memory_space<hbm>> -> memref<64x512xf32, #tpu.memory_space<hbm>>
      tpu.enqueue_dma source(%arg6 : memref<64x512xf32, #tpu.memory_space<vmem>>) target(%dma_start3A_46 : memref<64x512xf32, #tpu.memory_space<hbm>>) target_semaphore(%arg10 : memref<!tpu.dma_semaphore, #tpu.memory_space<semaphore_mem>>)
      %dma_wait3A_47 = arith.constant 0 : i32
      %dma_wait3A_48 = tpu.memref_slice %arg5[%dma_wait3A_47] : memref<2048xi32, #tpu.memory_space<vmem>> -> memref<64xi32, #tpu.memory_space<vmem>>
      %dma_wait3A_49 = arith.constant 0 : i32
      %dma_wait3A_50 = arith.constant 0 : i32
      %dma_wait3A_51 = tpu.memref_slice %arg2[%dma_wait3A_49, %dma_wait3A_50] : memref<384x512xf32, #tpu.memory_space<hbm>> -> memref<384x512xf32, #tpu.memory_space<hbm>>
      tpu.wait_indirect_dma semaphore(%arg9 : memref<!tpu.dma_semaphore, #tpu.memory_space<semaphore_mem>>) src(%dma_wait3A_51 : memref<384x512xf32, #tpu.memory_space<hbm>>) dst(%arg7 : memref<64x512xf32, #tpu.memory_space<vmem>>)
      %add3A_52 = arith.constant 1 : i32
      %add3A_53 = arith.addi %mul3A_34, %add3A_52 : i32
      %mul3A_54 = arith.constant 64 : i32
      %mul3A_55 = arith.muli %add3A_53, %mul3A_54 : i32
      %add3A_56 = arith.addi %mul3A_2, %mul3A_55 : i32
      %dma_start3A_57 = arith.constant 0 : i32
      %dma_start3A_58 = tpu.memref_slice %arg4[%add3A_56, %dma_start3A_57] : memref<65536x512xf32, #tpu.memory_space<hbm>> -> memref<64x512xf32, #tpu.memory_space<hbm>>
      %dma_start3A_59 = arith.constant 0 : i32
      %dma_start3A_60 = tpu.memref_slice %arg4[%add3A_56, %dma_start3A_59] : memref<65536x512xf32, #tpu.memory_space<hbm>> -> memref<64x512xf32, #tpu.memory_space<hbm>>
      tpu.enqueue_dma source(%arg7 : memref<64x512xf32, #tpu.memory_space<vmem>>) target(%dma_start3A_60 : memref<64x512xf32, #tpu.memory_space<hbm>>) target_semaphore(%arg11 : memref<!tpu.dma_semaphore, #tpu.memory_space<semaphore_mem>>)
      %add3A_61 = arith.constant 1 : i32
      %add3A_62 = arith.addi %scan3A_32, %add3A_61 : i32
      %lt3A = arith.constant 16 : i32
      %lt3A_63 = arith.cmpi slt, %add3A_62, %lt3A : i32
      %convert_element_type3A = arith.extui %lt3A_63 : i1 to i32
      %cond3A = arith.constant 0 : i32
      %cond3A_64 = arith.cmpi ne, %convert_element_type3A, %cond3A : i32
      scf.if %cond3A_64 {
        %dma_wait3A_65 = arith.constant 0 : i32
        %dma_wait3A_66 = tpu.memref_slice %arg4[%mul3A_2, %dma_wait3A_65] : memref<65536x512xf32, #tpu.memory_space<hbm>> -> memref<64x512xf32, #tpu.memory_space<hbm>>
        %dma_wait3A_67 = arith.constant 0 : i32
        %dma_wait3A_68 = tpu.memref_slice %arg4[%mul3A_2, %dma_wait3A_67] : memref<65536x512xf32, #tpu.memory_space<hbm>> -> memref<64x512xf32, #tpu.memory_space<hbm>>
        tpu.wait_dma2 semaphore(%arg10 : memref<!tpu.dma_semaphore, #tpu.memory_space<semaphore_mem>>) src(%arg6 : memref<64x512xf32, #tpu.memory_space<vmem>>) dst(%dma_wait3A_68 : memref<64x512xf32, #tpu.memory_space<hbm>>)
        %add3A_69 = arith.constant 2 : i32
        %add3A_70 = arith.addi %mul3A_34, %add3A_69 : i32
        %mul3A_71 = arith.constant 64 : i32
        %mul3A_72 = arith.muli %add3A_70, %mul3A_71 : i32
        %dma_start3A_73 = tpu.memref_slice %arg5[%mul3A_72] : memref<2048xi32, #tpu.memory_space<vmem>> -> memref<64xi32, #tpu.memory_space<vmem>>
        %dma_start3A_74 = arith.constant 0 : i32
        %dma_start3A_75 = arith.constant 0 : i32
        %dma_start3A_76 = tpu.memref_slice %arg2[%dma_start3A_74, %dma_start3A_75] : memref<384x512xf32, #tpu.memory_space<hbm>> -> memref<384x512xf32, #tpu.memory_space<hbm>>
        tpu.enqueue_indirect_dma source(%dma_start3A_76 : memref<384x512xf32, #tpu.memory_space<hbm>>) target(%arg6 : memref<64x512xf32, #tpu.memory_space<vmem>>) offsets(%dma_start3A_73 : memref<64xi32, #tpu.memory_space<vmem>>) semaphore(%arg8 : memref<!tpu.dma_semaphore, #tpu.memory_space<semaphore_mem>>)
        %dma_wait3A_77 = arith.constant 0 : i32
        %dma_wait3A_78 = tpu.memref_slice %arg4[%mul3A_2, %dma_wait3A_77] : memref<65536x512xf32, #tpu.memory_space<hbm>> -> memref<64x512xf32, #tpu.memory_space<hbm>>
        %dma_wait3A_79 = arith.constant 0 : i32
        %dma_wait3A_80 = tpu.memref_slice %arg4[%mul3A_2, %dma_wait3A_79] : memref<65536x512xf32, #tpu.memory_space<hbm>> -> memref<64x512xf32, #tpu.memory_space<hbm>>
        tpu.wait_dma2 semaphore(%arg11 : memref<!tpu.dma_semaphore, #tpu.memory_space<semaphore_mem>>) src(%arg7 : memref<64x512xf32, #tpu.memory_space<vmem>>) dst(%dma_wait3A_80 : memref<64x512xf32, #tpu.memory_space<hbm>>)
        %add3A_81 = arith.constant 3 : i32
        %add3A_82 = arith.addi %mul3A_34, %add3A_81 : i32
        %mul3A_83 = arith.constant 64 : i32
        %mul3A_84 = arith.muli %add3A_82, %mul3A_83 : i32
        %dma_start3A_85 = tpu.memref_slice %arg5[%mul3A_84] : memref<2048xi32, #tpu.memory_space<vmem>> -> memref<64xi32, #tpu.memory_space<vmem>>
        %dma_start3A_86 = arith.constant 0 : i32
        %dma_start3A_87 = arith.constant 0 : i32
        %dma_start3A_88 = tpu.memref_slice %arg2[%dma_start3A_86, %dma_start3A_87] : memref<384x512xf32, #tpu.memory_space<hbm>> -> memref<384x512xf32, #tpu.memory_space<hbm>>
        tpu.enqueue_indirect_dma source(%dma_start3A_88 : memref<384x512xf32, #tpu.memory_space<hbm>>) target(%arg7 : memref<64x512xf32, #tpu.memory_space<vmem>>) offsets(%dma_start3A_85 : memref<64xi32, #tpu.memory_space<vmem>>) semaphore(%arg9 : memref<!tpu.dma_semaphore, #tpu.memory_space<semaphore_mem>>)
      } else {
      }
    }
    %scan3A_24 = arith.constant 16 : i32
    %dma_wait3A = arith.constant 0 : i32
    %dma_wait3A_25 = tpu.memref_slice %arg4[%mul3A_2, %dma_wait3A] : memref<65536x512xf32, #tpu.memory_space<hbm>> -> memref<64x512xf32, #tpu.memory_space<hbm>>
    %dma_wait3A_26 = arith.constant 0 : i32
    %dma_wait3A_27 = tpu.memref_slice %arg4[%mul3A_2, %dma_wait3A_26] : memref<65536x512xf32, #tpu.memory_space<hbm>> -> memref<64x512xf32, #tpu.memory_space<hbm>>
    tpu.wait_dma2 semaphore(%arg10 : memref<!tpu.dma_semaphore, #tpu.memory_space<semaphore_mem>>) src(%arg6 : memref<64x512xf32, #tpu.memory_space<vmem>>) dst(%dma_wait3A_27 : memref<64x512xf32, #tpu.memory_space<hbm>>)
    %dma_wait3A_28 = arith.constant 0 : i32
    %dma_wait3A_29 = tpu.memref_slice %arg4[%mul3A_2, %dma_wait3A_28] : memref<65536x512xf32, #tpu.memory_space<hbm>> -> memref<64x512xf32, #tpu.memory_space<hbm>>
    %dma_wait3A_30 = arith.constant 0 : i32
    %dma_wait3A_31 = tpu.memref_slice %arg4[%mul3A_2, %dma_wait3A_30] : memref<65536x512xf32, #tpu.memory_space<hbm>> -> memref<64x512xf32, #tpu.memory_space<hbm>>
    tpu.wait_dma2 semaphore(%arg11 : memref<!tpu.dma_semaphore, #tpu.memory_space<semaphore_mem>>) src(%arg7 : memref<64x512xf32, #tpu.memory_space<vmem>>) dst(%dma_wait3A_31 : memref<64x512xf32, #tpu.memory_space<hbm>>)
    return
  }
}

module attributes {stable_mosaic.version = 14 : i64} {
  func.func @_table_body(%arg0: memref<12x256xf32, #tpu.memory_space<vmem>>, %arg1: memref<384x512xf32, #tpu.memory_space<vmem>>) attributes {dimension_semantics = [], scalar_prefetch = 0 : i64, scratch_operands = 0 : i64, tpu.core_type = #tpu.core_type<tc>} {
    %get3A = arith.constant 0 : index
    %get3A_0 = arith.constant 0 : index
    %get3A_1 = vector.load %arg0[%get3A, %get3A_0] : memref<12x256xf32, #tpu.memory_space<vmem>>, vector<12x256xf32>
    %get3A_2 = arith.constant 0 : index
    %get3A_3 = arith.constant 0 : index
    %get3A_4 = vector.load %arg0[%get3A_2, %get3A_3] : memref<12x256xf32, #tpu.memory_space<vmem>>, vector<1x256xf32>
    %get3A_5 = arith.constant 1 : index
    %get3A_6 = arith.constant 0 : index
    %get3A_7 = vector.load %arg0[%get3A_5, %get3A_6] : memref<12x256xf32, #tpu.memory_space<vmem>>, vector<1x256xf32>
    %get3A_8 = arith.constant 2 : index
    %get3A_9 = arith.constant 0 : index
    %get3A_10 = vector.load %arg0[%get3A_8, %get3A_9] : memref<12x256xf32, #tpu.memory_space<vmem>>, vector<1x256xf32>
    %get3A_11 = arith.constant 3 : index
    %get3A_12 = arith.constant 0 : index
    %get3A_13 = vector.load %arg0[%get3A_11, %get3A_12] : memref<12x256xf32, #tpu.memory_space<vmem>>, vector<1x256xf32>
    %get3A_14 = arith.constant 4 : index
    %get3A_15 = arith.constant 0 : index
    %get3A_16 = vector.load %arg0[%get3A_14, %get3A_15] : memref<12x256xf32, #tpu.memory_space<vmem>>, vector<1x256xf32>
    %get3A_17 = arith.constant 5 : index
    %get3A_18 = arith.constant 0 : index
    %get3A_19 = vector.load %arg0[%get3A_17, %get3A_18] : memref<12x256xf32, #tpu.memory_space<vmem>>, vector<1x256xf32>
    %get3A_20 = arith.constant 6 : index
    %get3A_21 = arith.constant 0 : index
    %get3A_22 = vector.load %arg0[%get3A_20, %get3A_21] : memref<12x256xf32, #tpu.memory_space<vmem>>, vector<1x256xf32>
    %get3A_23 = arith.constant 10 : index
    %get3A_24 = arith.constant 0 : index
    %get3A_25 = vector.load %arg0[%get3A_23, %get3A_24] : memref<12x256xf32, #tpu.memory_space<vmem>>, vector<1x256xf32>
    %get3A_26 = arith.constant 9 : index
    %get3A_27 = arith.constant 0 : index
    %get3A_28 = vector.load %arg0[%get3A_26, %get3A_27] : memref<12x256xf32, #tpu.memory_space<vmem>>, vector<1x256xf32>
    %get3A_29 = arith.constant 8 : index
    %get3A_30 = arith.constant 0 : index
    %get3A_31 = vector.load %arg0[%get3A_29, %get3A_30] : memref<12x256xf32, #tpu.memory_space<vmem>>, vector<1x256xf32>
    %get3A_32 = arith.constant 7 : index
    %get3A_33 = arith.constant 0 : index
    %get3A_34 = vector.load %arg0[%get3A_32, %get3A_33] : memref<12x256xf32, #tpu.memory_space<vmem>>, vector<1x256xf32>
    %get3A_35 = arith.constant 11 : index
    %get3A_36 = arith.constant 0 : index
    %get3A_37 = vector.load %arg0[%get3A_35, %get3A_36] : memref<12x256xf32, #tpu.memory_space<vmem>>, vector<1x256xf32>
    %concatenate3A = tpu.concatenate %get3A_4, %get3A_7, %get3A_10, %get3A_13, %get3A_16, %get3A_19, %get3A_22, %get3A_25, %get3A_28, %get3A_31, %get3A_34, %get3A_37 in 0 : vector<1x256xf32>, vector<1x256xf32>, vector<1x256xf32>, vector<1x256xf32>, vector<1x256xf32>, vector<1x256xf32>, vector<1x256xf32>, vector<1x256xf32>, vector<1x256xf32>, vector<1x256xf32>, vector<1x256xf32>, vector<1x256xf32> -> vector<12x256xf32>
    %iota3A = tpu.iota {dimensions = array<i32: 0>} : vector<256x256xi32>
    %iota3A_38 = tpu.iota {dimensions = array<i32: 1>} : vector<256x256xi32>
    %add3A = arith.addi %iota3A, %iota3A_38 : vector<256x256xi32>
    %eq3A = arith.constant 255 : i32
    %eq3A_39 = vector.broadcast %eq3A : i32 to vector<256x256xi32>
    %eq3A_40 = arith.cmpi eq, %add3A, %eq3A_39 : vector<256x256xi32>
    %jit3A = arith.constant 1.000000e+00 : f32
    %jit3A_41 = arith.constant 0.000000e+00 : f32
    %broadcast_in_dim3A = vector.broadcast %jit3A : f32 to vector<256x256xf32>
    %broadcast_in_dim3A_42 = vector.broadcast %jit3A_41 : f32 to vector<256x256xf32>
    %select_n3A = arith.select %eq3A_40, %broadcast_in_dim3A, %broadcast_in_dim3A_42 : vector<256x256xi1>, vector<256x256xf32>
    %dot_general3A = arith.constant dense<0.000000e+00> : vector<12x256xf32>
    %dot_general3A_43 = tpu.matmul %concatenate3A, %select_n3A, %dot_general3A {dimension_numbers = #tpu.dot_dimension_numbers<[1], [0], [0], [1], [0, 0, 1, 1], [], []>, precision = #tpu.contract_precision<fp32>, transpose_lhs_hint = false} : vector<12x256xf32>, vector<256x256xf32>, vector<12x256xf32> -> vector<12x256xf32>
    %concatenate3A_44 = tpu.concatenate %get3A_1, %dot_general3A_43 in 1 : vector<12x256xf32>, vector<12x256xf32> -> vector<12x512xf32>
    %swap3A = arith.constant 0 : index
    %swap3A_45 = arith.constant 0 : index
    %swap3A_46 = vector.load %arg1[%swap3A, %swap3A_45] : memref<384x512xf32, #tpu.memory_space<vmem>>, vector<12x512xf32>
    tpu.vector_store %arg1[%swap3A, %swap3A_45], %concatenate3A_44 {strides = array<i32>} : memref<384x512xf32, #tpu.memory_space<vmem>>, vector<12x512xf32>,
    %swap3A_47 = arith.constant 12 : index
    %swap3A_48 = arith.constant 0 : index
    %swap3A_49 = vector.load %arg1[%swap3A_47, %swap3A_48] : memref<384x512xf32, #tpu.memory_space<vmem>>, vector<12x512xf32>
    tpu.vector_store %arg1[%swap3A_47, %swap3A_48], %concatenate3A_44 {strides = array<i32>} : memref<384x512xf32, #tpu.memory_space<vmem>>, vector<12x512xf32>,
    %swap3A_50 = arith.constant 24 : index
    %swap3A_51 = arith.constant 0 : index
    %swap3A_52 = vector.load %arg1[%swap3A_50, %swap3A_51] : memref<384x512xf32, #tpu.memory_space<vmem>>, vector<12x512xf32>
    tpu.vector_store %arg1[%swap3A_50, %swap3A_51], %concatenate3A_44 {strides = array<i32>} : memref<384x512xf32, #tpu.memory_space<vmem>>, vector<12x512xf32>,
    %swap3A_53 = arith.constant 36 : index
    %swap3A_54 = arith.constant 0 : index
    %swap3A_55 = vector.load %arg1[%swap3A_53, %swap3A_54] : memref<384x512xf32, #tpu.memory_space<vmem>>, vector<12x512xf32>
    tpu.vector_store %arg1[%swap3A_53, %swap3A_54], %concatenate3A_44 {strides = array<i32>} : memref<384x512xf32, #tpu.memory_space<vmem>>, vector<12x512xf32>,
    %swap3A_56 = arith.constant 48 : index
    %swap3A_57 = arith.constant 0 : index
    %swap3A_58 = vector.load %arg1[%swap3A_56, %swap3A_57] : memref<384x512xf32, #tpu.memory_space<vmem>>, vector<12x512xf32>
    tpu.vector_store %arg1[%swap3A_56, %swap3A_57], %concatenate3A_44 {strides = array<i32>} : memref<384x512xf32, #tpu.memory_space<vmem>>, vector<12x512xf32>,
    %swap3A_59 = arith.constant 60 : index
    %swap3A_60 = arith.constant 0 : index
    %swap3A_61 = vector.load %arg1[%swap3A_59, %swap3A_60] : memref<384x512xf32, #tpu.memory_space<vmem>>, vector<12x512xf32>
    tpu.vector_store %arg1[%swap3A_59, %swap3A_60], %concatenate3A_44 {strides = array<i32>} : memref<384x512xf32, #tpu.memory_space<vmem>>, vector<12x512xf32>,
    %swap3A_62 = arith.constant 72 : index
    %swap3A_63 = arith.constant 0 : index
    %swap3A_64 = vector.load %arg1[%swap3A_62, %swap3A_63] : memref<384x512xf32, #tpu.memory_space<vmem>>, vector<12x512xf32>
    tpu.vector_store %arg1[%swap3A_62, %swap3A_63], %concatenate3A_44 {strides = array<i32>} : memref<384x512xf32, #tpu.memory_space<vmem>>, vector<12x512xf32>,
    %swap3A_65 = arith.constant 84 : index
    %swap3A_66 = arith.constant 0 : index
    %swap3A_67 = vector.load %arg1[%swap3A_65, %swap3A_66] : memref<384x512xf32, #tpu.memory_space<vmem>>, vector<12x512xf32>
    tpu.vector_store %arg1[%swap3A_65, %swap3A_66], %concatenate3A_44 {strides = array<i32>} : memref<384x512xf32, #tpu.memory_space<vmem>>, vector<12x512xf32>,
    %swap3A_68 = arith.constant 96 : index
    %swap3A_69 = arith.constant 0 : index
    %swap3A_70 = vector.load %arg1[%swap3A_68, %swap3A_69] : memref<384x512xf32, #tpu.memory_space<vmem>>, vector<12x512xf32>
    tpu.vector_store %arg1[%swap3A_68, %swap3A_69], %concatenate3A_44 {strides = array<i32>} : memref<384x512xf32, #tpu.memory_space<vmem>>, vector<12x512xf32>,
    %swap3A_71 = arith.constant 108 : index
    %swap3A_72 = arith.constant 0 : index
    %swap3A_73 = vector.load %arg1[%swap3A_71, %swap3A_72] : memref<384x512xf32, #tpu.memory_space<vmem>>, vector<12x512xf32>
    tpu.vector_store %arg1[%swap3A_71, %swap3A_72], %concatenate3A_44 {strides = array<i32>} : memref<384x512xf32, #tpu.memory_space<vmem>>, vector<12x512xf32>,
    %swap3A_74 = arith.constant 120 : index
    %swap3A_75 = arith.constant 0 : index
    %swap3A_76 = vector.load %arg1[%swap3A_74, %swap3A_75] : memref<384x512xf32, #tpu.memory_space<vmem>>, vector<12x512xf32>
    tpu.vector_store %arg1[%swap3A_74, %swap3A_75], %concatenate3A_44 {strides = array<i32>} : memref<384x512xf32, #tpu.memory_space<vmem>>, vector<12x512xf32>,
    %swap3A_77 = arith.constant 132 : index
    %swap3A_78 = arith.constant 0 : index
    %swap3A_79 = vector.load %arg1[%swap3A_77, %swap3A_78] : memref<384x512xf32, #tpu.memory_space<vmem>>, vector<12x512xf32>
    tpu.vector_store %arg1[%swap3A_77, %swap3A_78], %concatenate3A_44 {strides = array<i32>} : memref<384x512xf32, #tpu.memory_space<vmem>>, vector<12x512xf32>,
    %swap3A_80 = arith.constant 144 : index
    %swap3A_81 = arith.constant 0 : index
    %swap3A_82 = vector.load %arg1[%swap3A_80, %swap3A_81] : memref<384x512xf32, #tpu.memory_space<vmem>>, vector<12x512xf32>
    tpu.vector_store %arg1[%swap3A_80, %swap3A_81], %concatenate3A_44 {strides = array<i32>} : memref<384x512xf32, #tpu.memory_space<vmem>>, vector<12x512xf32>,
    %swap3A_83 = arith.constant 156 : index
    %swap3A_84 = arith.constant 0 : index
    %swap3A_85 = vector.load %arg1[%swap3A_83, %swap3A_84] : memref<384x512xf32, #tpu.memory_space<vmem>>, vector<12x512xf32>
    tpu.vector_store %arg1[%swap3A_83, %swap3A_84], %concatenate3A_44 {strides = array<i32>} : memref<384x512xf32, #tpu.memory_space<vmem>>, vector<12x512xf32>,
    %swap3A_86 = arith.constant 168 : index
    %swap3A_87 = arith.constant 0 : index
    %swap3A_88 = vector.load %arg1[%swap3A_86, %swap3A_87] : memref<384x512xf32, #tpu.memory_space<vmem>>, vector<12x512xf32>
    tpu.vector_store %arg1[%swap3A_86, %swap3A_87], %concatenate3A_44 {strides = array<i32>} : memref<384x512xf32, #tpu.memory_space<vmem>>, vector<12x512xf32>,
    %swap3A_89 = arith.constant 180 : index
    %swap3A_90 = arith.constant 0 : index
    %swap3A_91 = vector.load %arg1[%swap3A_89, %swap3A_90] : memref<384x512xf32, #tpu.memory_space<vmem>>, vector<12x512xf32>
    tpu.vector_store %arg1[%swap3A_89, %swap3A_90], %concatenate3A_44 {strides = array<i32>} : memref<384x512xf32, #tpu.memory_space<vmem>>, vector<12x512xf32>,
    %swap3A_92 = arith.constant 192 : index
    %swap3A_93 = arith.constant 0 : index
    %swap3A_94 = vector.load %arg1[%swap3A_92, %swap3A_93] : memref<384x512xf32, #tpu.memory_space<vmem>>, vector<12x512xf32>
    tpu.vector_store %arg1[%swap3A_92, %swap3A_93], %concatenate3A_44 {strides = array<i32>} : memref<384x512xf32, #tpu.memory_space<vmem>>, vector<12x512xf32>,
    %swap3A_95 = arith.constant 204 : index
    %swap3A_96 = arith.constant 0 : index
    %swap3A_97 = vector.load %arg1[%swap3A_95, %swap3A_96] : memref<384x512xf32, #tpu.memory_space<vmem>>, vector<12x512xf32>
    tpu.vector_store %arg1[%swap3A_95, %swap3A_96], %concatenate3A_44 {strides = array<i32>} : memref<384x512xf32, #tpu.memory_space<vmem>>, vector<12x512xf32>,
    %swap3A_98 = arith.constant 216 : index
    %swap3A_99 = arith.constant 0 : index
    %swap3A_100 = vector.load %arg1[%swap3A_98, %swap3A_99] : memref<384x512xf32, #tpu.memory_space<vmem>>, vector<12x512xf32>
    tpu.vector_store %arg1[%swap3A_98, %swap3A_99], %concatenate3A_44 {strides = array<i32>} : memref<384x512xf32, #tpu.memory_space<vmem>>, vector<12x512xf32>,
    %swap3A_101 = arith.constant 228 : index
    %swap3A_102 = arith.constant 0 : index
    %swap3A_103 = vector.load %arg1[%swap3A_101, %swap3A_102] : memref<384x512xf32, #tpu.memory_space<vmem>>, vector<12x512xf32>
    tpu.vector_store %arg1[%swap3A_101, %swap3A_102], %concatenate3A_44 {strides = array<i32>} : memref<384x512xf32, #tpu.memory_space<vmem>>, vector<12x512xf32>,
    %swap3A_104 = arith.constant 240 : index
    %swap3A_105 = arith.constant 0 : index
    %swap3A_106 = vector.load %arg1[%swap3A_104, %swap3A_105] : memref<384x512xf32, #tpu.memory_space<vmem>>, vector<12x512xf32>
    tpu.vector_store %arg1[%swap3A_104, %swap3A_105], %concatenate3A_44 {strides = array<i32>} : memref<384x512xf32, #tpu.memory_space<vmem>>, vector<12x512xf32>,
    %swap3A_107 = arith.constant 252 : index
    %swap3A_108 = arith.constant 0 : index
    %swap3A_109 = vector.load %arg1[%swap3A_107, %swap3A_108] : memref<384x512xf32, #tpu.memory_space<vmem>>, vector<12x512xf32>
    tpu.vector_store %arg1[%swap3A_107, %swap3A_108], %concatenate3A_44 {strides = array<i32>} : memref<384x512xf32, #tpu.memory_space<vmem>>, vector<12x512xf32>,
    %swap3A_110 = arith.constant 264 : index
    %swap3A_111 = arith.constant 0 : index
    %swap3A_112 = vector.load %arg1[%swap3A_110, %swap3A_111] : memref<384x512xf32, #tpu.memory_space<vmem>>, vector<12x512xf32>
    tpu.vector_store %arg1[%swap3A_110, %swap3A_111], %concatenate3A_44 {strides = array<i32>} : memref<384x512xf32, #tpu.memory_space<vmem>>, vector<12x512xf32>,
    %swap3A_113 = arith.constant 276 : index
    %swap3A_114 = arith.constant 0 : index
    %swap3A_115 = vector.load %arg1[%swap3A_113, %swap3A_114] : memref<384x512xf32, #tpu.memory_space<vmem>>, vector<12x512xf32>
    tpu.vector_store %arg1[%swap3A_113, %swap3A_114], %concatenate3A_44 {strides = array<i32>} : memref<384x512xf32, #tpu.memory_space<vmem>>, vector<12x512xf32>,
    %swap3A_116 = arith.constant 288 : index
    %swap3A_117 = arith.constant 0 : index
    %swap3A_118 = vector.load %arg1[%swap3A_116, %swap3A_117] : memref<384x512xf32, #tpu.memory_space<vmem>>, vector<12x512xf32>
    tpu.vector_store %arg1[%swap3A_116, %swap3A_117], %concatenate3A_44 {strides = array<i32>} : memref<384x512xf32, #tpu.memory_space<vmem>>, vector<12x512xf32>,
    %swap3A_119 = arith.constant 300 : index
    %swap3A_120 = arith.constant 0 : index
    %swap3A_121 = vector.load %arg1[%swap3A_119, %swap3A_120] : memref<384x512xf32, #tpu.memory_space<vmem>>, vector<12x512xf32>
    tpu.vector_store %arg1[%swap3A_119, %swap3A_120], %concatenate3A_44 {strides = array<i32>} : memref<384x512xf32, #tpu.memory_space<vmem>>, vector<12x512xf32>,
    %swap3A_122 = arith.constant 312 : index
    %swap3A_123 = arith.constant 0 : index
    %swap3A_124 = vector.load %arg1[%swap3A_122, %swap3A_123] : memref<384x512xf32, #tpu.memory_space<vmem>>, vector<12x512xf32>
    tpu.vector_store %arg1[%swap3A_122, %swap3A_123], %concatenate3A_44 {strides = array<i32>} : memref<384x512xf32, #tpu.memory_space<vmem>>, vector<12x512xf32>,
    %swap3A_125 = arith.constant 324 : index
    %swap3A_126 = arith.constant 0 : index
    %swap3A_127 = vector.load %arg1[%swap3A_125, %swap3A_126] : memref<384x512xf32, #tpu.memory_space<vmem>>, vector<12x512xf32>
    tpu.vector_store %arg1[%swap3A_125, %swap3A_126], %concatenate3A_44 {strides = array<i32>} : memref<384x512xf32, #tpu.memory_space<vmem>>, vector<12x512xf32>,
    %swap3A_128 = arith.constant 336 : index
    %swap3A_129 = arith.constant 0 : index
    %swap3A_130 = vector.load %arg1[%swap3A_128, %swap3A_129] : memref<384x512xf32, #tpu.memory_space<vmem>>, vector<12x512xf32>
    tpu.vector_store %arg1[%swap3A_128, %swap3A_129], %concatenate3A_44 {strides = array<i32>} : memref<384x512xf32, #tpu.memory_space<vmem>>, vector<12x512xf32>,
    %swap3A_131 = arith.constant 348 : index
    %swap3A_132 = arith.constant 0 : index
    %swap3A_133 = vector.load %arg1[%swap3A_131, %swap3A_132] : memref<384x512xf32, #tpu.memory_space<vmem>>, vector<12x512xf32>
    tpu.vector_store %arg1[%swap3A_131, %swap3A_132], %concatenate3A_44 {strides = array<i32>} : memref<384x512xf32, #tpu.memory_space<vmem>>, vector<12x512xf32>,
    %swap3A_134 = arith.constant 360 : index
    %swap3A_135 = arith.constant 0 : index
    %swap3A_136 = vector.load %arg1[%swap3A_134, %swap3A_135] : memref<384x512xf32, #tpu.memory_space<vmem>>, vector<12x512xf32>
    tpu.vector_store %arg1[%swap3A_134, %swap3A_135], %concatenate3A_44 {strides = array<i32>} : memref<384x512xf32, #tpu.memory_space<vmem>>, vector<12x512xf32>,
    %swap3A_137 = arith.constant 372 : index
    %swap3A_138 = arith.constant 0 : index
    %swap3A_139 = vector.load %arg1[%swap3A_137, %swap3A_138] : memref<384x512xf32, #tpu.memory_space<vmem>>, vector<12x512xf32>
    tpu.vector_store %arg1[%swap3A_137, %swap3A_138], %concatenate3A_44 {strides = array<i32>} : memref<384x512xf32, #tpu.memory_space<vmem>>, vector<12x512xf32>,
    return
  }
}

</mosaic_0001>

<sc_bundles>
// kernel: kernel.4.cloned.1.call-start
scs
__scs_entry_jumppad:
0x0: {  	(pc) =	sbr.rel $0x88, $3  }
0x1: {  	(tag) =	ssettag $0x0;
	lr =	simm.s32 $0x1  }
0x2: {  	[smem:$0x3F9F] =	sst lr;
	_ =	strace $0xD0000000  }
0x3: {  	_ = 	snop  }
0x4: {  	_ = 	snop  }
0x5: {  	_ = 	snop  }
0x6: {  	_ = 	snop  }
0x7: {  	_ = 	snop  }
__scs_overlays_trampoline_lowered:
0x8: {  	[smem:$0x3FAE] =	sst s0  }
0x9: {  	[smem:$0x3FAF] =	sst s1  }
0xa: {  	[smem:$0x3FB0] =	sst s2  }
0xb: {  	[smem:$0x3FB1] =	sst s3  }
0xc: {  	[smem:$0x3FB2] =	sst s4  }
0xd: {  	[smem:$0x3FB3] =	sst s5  }
0xe: {  	[smem:$0x3FB4] =	sst s6  }
0xf: {  	[smem:$0x3FB5] =	sst s7  }
0x10: {  	[smem:$0x3FB6] =	sst s8  }
0x11: {  	[smem:$0x3FB7] =	sst s9;
	s0 =	simm.s32 @!p0 $0x0  }
0x12: {  	s1 =	sld [smem:$0x3F9D];
	s0 =	simm.s32 @p0 $0x1  }
0x13: {  	[smem:$0x3FB8] =	sst s0;
	s0 =	simm.s32 @!p1 $0x0  }
0x14: {  	s2 =	sld [smem:$0x3F9C];
	s0 =	simm.s32 @p1 $0x1  }
0x15: {  	[smem:$0x3FB9] =	sst s0;
	s0 =	simm.s32 @!p2 $0x0  }
0x16: {  	s3 =	sld [smem:$0x3FDB];
	s0 =	simm.s32 @p2 $0x1  }
0x17: {  	s4 =	simm.s32 $0x1BF5;
	[smem:$0x3FBB] =	sst s0  }
0x18: {  	s0 =	sld [smem:$0x3F9E];
	_ =	swait.ge [sflag:s4], $0x0  }
0x19: {  	s7 =	sld [smem:$0x3F9F]  }
0x1a: {  	s8 =	sadd.s32 $0xFFFFE003, lr  }
0x1b: {  	s9 =	sadd.s32 $0xFFFFFEF7, lr;
	s5 =	simm.s32 $0xFFFFFFFF;
	p2 =	slt.u32 s8, $0xFFFFF086  }
0x1c: {  	p1 =	slt.u32 s9, $0xF7A;
	s5 =	simm.s32 @!p2 $0x0  }
0x1d: {  	s5 =	simm.s32 @p1 $0x1;
	p0 =	seq.s32 s7, s2  }
0x1e: {  	s7 =	smul.u32 @!p0 $0xF7A, s2;
	p2 =	seq.s32 @!p0 s5, $0x0  }
0x1f: {  	s9 =	smul.u32 $0xF7A, s1;
	s8 =	simm.s32 @!p0 $0x1BF5;
	p2 =	por !p2, p0  }
0x20: {  	[sflag:s8] =	ssyncset.s32 @!p0 $0xFFFFF086;
	s6 =	sadd.s32 @!p0 s3, s7;
	s7 =	simm.s32 @!p0 $0x108  }
0x21: {  	s3 =	sadd.s32 s3, s9;
	s6 =	sadd.s32 @!p0 $0x88, s6;
	s7 =	simm.s32 @p2 $0x1082  }
0x22: {  	[simem:s7], [sflag:s8] =	dma.local @!p0 [hbm:s6], $0xF7A  }
0x23: {  	s9 =	sor.u32 $0xD0000000, s2;
	s6 =	simm.s32 $0x108;
	_ =	swait.ge @!p0 [sflag:s8], $0x0  }
0x24: {  	s3 =	sadd.s32 $0x88, s3;
	s6 =	simm.s32 @!p1 $0x1082;
	[sflag:s4] =	ssyncset.s32 $0xFFFFF086  }
0x25: {  	[simem:s6], [sflag:s4] =	dma.local [hbm:s3], $0xF7A  }
0x26: {  	[smem:$0x3F9F] =	sst s1;
	(tag) =	ssettag s2;
	_ =	strace s9  }
0x27: {  	s1 =	sld [smem:$0x3FAF]  }
0x28: {  	s2 =	sld [smem:$0x3FB0]  }
0x29: {  	s4 =	sld [smem:$0x3FB2]  }
0x2a: {  	p0 =	seq.s32 s5, $0x0;
	s5 =	sld [smem:$0x3FB3]  }
0x2b: {  	s6 =	sld [smem:$0x3FB4]  }
0x2c: {  	s7 =	sld [smem:$0x3FB5]  }
0x2d: {  	s3 =	simm.s32 $0x108;
	s8 =	sld [smem:$0x3FB6]  }
0x2e: {  	s3 =	simm.s32 @!p0 $0x1082;
	s9 =	sld [smem:$0x3FB7]  }
0x2f: {  	lr =	sadd.s32 s0, s3;
	s0 =	sld [smem:$0x3FAE]  }
0x30: {  	s3 =	sld [smem:$0x3FB1]  }
0x31: {  	[smem:$0x3FBA] =	sst s10  }
0x32: {  	s10 =	sld [smem:$0x3FB8];
	_ =	sdelay $0x3  }
0x33: {  	p0 =	seq.s32 s10, $0x1;
	s10 =	sld [smem:$0x3FBA];
	_ =	sdelay $0x3  }
0x34: {  	[smem:$0x3FBA] =	sst s10  }
0x35: {  	s10 =	sld [smem:$0x3FB9];
	_ =	sdelay $0x3  }
0x36: {  	p1 =	seq.s32 s10, $0x1;
	s10 =	sld [smem:$0x3FBA];
	_ =	sdelay $0x3  }
0x37: {  	[smem:$0x3FBA] =	sst s10  }
0x38: {  	s10 =	sld [smem:$0x3FBB]  }
0x39: {  	_ = 	snop;
	(pc) =	sbr.ind lr, $3  }
0x3a: {  	_ = 	snop  }
0x3b: {  	_ = 	snop  }
0x3c: {  	p2 =	seq.s32 s10, $0x1;
	s10 =	sld [smem:$0x3FBA]  }
0x3d: {  	_ =	shalt  }
0x3e: {  	_ =	shalt  }
0x3f: {  	_ =	shalt  }
0x40: {  	_ =	shalt  }
0x41: {  	_ =	shalt  }
0x42: {  	_ =	shalt  }
0x43: {  	_ =	shalt  }
0x44: {  	_ =	shalt  }
0x45: {  	_ =	shalt  }
0x46: {  	_ =	shalt  }
0x47: {  	_ =	shalt  }
0x48: {  	_ =	shalt  }
0x49: {  	_ =	shalt  }
0x4a: {  	_ =	shalt  }
0x4b: {  	_ =	shalt  }
0x4c: {  	_ =	shalt  }
0x4d: {  	_ =	shalt  }
0x4e: {  	_ =	shalt  }
0x4f: {  	_ =	shalt  }
0x50: {  	_ =	shalt  }
0x51: {  	_ =	shalt  }
0x52: {  	_ =	shalt  }
0x53: {  	_ =	shalt  }
0x54: {  	_ =	shalt  }
0x55: {  	_ =	shalt  }
0x56: {  	_ =	shalt  }
0x57: {  	_ =	shalt  }
0x58: {  	_ =	shalt  }
0x59: {  	_ =	shalt  }
0x5a: {  	_ =	shalt  }
0x5b: {  	_ =	shalt  }
0x5c: {  	_ =	shalt  }
0x5d: {  	_ =	shalt  }
0x5e: {  	_ =	shalt  }
0x5f: {  	_ =	shalt  }
0x60: {  	_ =	shalt  }
0x61: {  	_ =	shalt  }
0x62: {  	_ =	shalt  }
0x63: {  	_ =	shalt  }
0x64: {  	_ =	shalt  }
0x65: {  	_ =	shalt  }
0x66: {  	_ =	shalt  }
0x67: {  	_ =	shalt  }
0x68: {  	_ =	shalt  }
0x69: {  	_ =	shalt  }
0x6a: {  	_ =	shalt  }
0x6b: {  	_ =	shalt  }
0x6c: {  	_ =	shalt  }
0x6d: {  	_ =	shalt  }
0x6e: {  	_ =	shalt  }
0x6f: {  	_ =	shalt  }
0x70: {  	_ =	shalt  }
0x71: {  	_ =	shalt  }
0x72: {  	_ =	shalt  }
0x73: {  	_ =	shalt  }
0x74: {  	_ =	shalt  }
0x75: {  	_ =	shalt  }
0x76: {  	_ =	shalt  }
0x77: {  	_ =	shalt  }
0x78: {  	_ =	shalt  }
0x79: {  	_ =	shalt  }
0x7a: {  	_ =	shalt  }
0x7b: {  	_ =	shalt  }
0x7c: {  	_ =	shalt  }
0x7d: {  	_ =	shalt  }
0x7e: {  	_ =	shalt  }
0x7f: {  	_ =	shalt  }
0x80: {  	_ =	shalt  }
0x81: {  	_ =	shalt  }
0x82: {  	_ =	shalt  }
0x83: {  	_ =	shalt  }
0x84: {  	_ =	shalt  }
0x85: {  	_ =	shalt  }
0x86: {  	_ =	shalt  }
0x87: {  	_ =	shalt  }
.Lfunc_end0:
.L_simem_size_0:
called_computation_lowered:
.L_overlay_start_0:
0x88: {  	s2 =	sld [smem:$0x3FD9]  }
0x89: {  	s3 =	sld [smem:$0x3FFE];
	_ =	sdelay $0x1  }
0x8a: {  	s1 =	srdreg.scid  }
0x8b: {  	s0 =	sand.u32 $0x1, s1  }
0x8c: {  	s17 =	sshll.u32 s0, $0xA;
	s2 =	sadd.s32 s3, s2  }
0x8d: {  	s2 =	sadd.s32 s2, s17  }
0x8e: {  	[smem:$0x3FC6] =	sst s2  }
0x8f: {  	_ = 	snop  }
0x90: {  	s2 =	sld [smem:$0x3FD0];
	(tm) =	ssettm $0x1  }
0x91: {  	s18 =	sld [smem:$0x3FFB];
	_ =	sdelay $0x3  }
0x92: {  	_ =	strace s18  }
0x93: {  	s3 =	sld [smem:$0x3FFC];
	_ =	sdelay $0x3  }
0x94: {  	_ =	strace s3  }
0x95: {  	s3 =	sld [smem:$0x3FFD];
	_ =	sdelay $0x3  }
0x96: {  	_ =	strace s3  }
0x97: {  	_ =	strace $0x8FFFFFFF  }
0x98: {  	s19 =	sld [smem:$0x3FDB];
	_ =	sdelay $0x1  }
0x99: {  	s4 =	simm.s32 $_scs_section_size  }
0x9a: {  	s5 =	simm.s32 $_size__tile_overlayer_lowered;
	s6 =	simm.s32 $_tile_overlayer_lowered  }
0x9b: {  	s22 =	simm.s32 $0x1BFF;
	s21 =	sshll.u32 s6, $0x1;
	s3 =	sadd.s32 s4, s19  }
0x9c: {  	s7 =	simm.s32 $0x0;
	s20 =	sshll.u32 s5, $0x1;
	s5 =	sadd.s32 s21, s3  }
0x9d: {  	[timem:s7], [sflag:s22] =	dma.local [hbm:s5], s20  }
0x9e: {  	_ =	swait.ge [sflag:s22], s20  }
0x9f: {  	s4 =	ssub.s32 $0x0, s20;
	[sflag:s22] =	ssyncset.done $0x0  }
0xa0: {  	[sflag:s22] =	ssyncadd.s32 s4;
	_ =	sdelay $0x1  }
0xa1: {  	s23 =	simm.s32 $0x1B8B  }
0xa2: {  	_ =	swait.ge [sflag:s23], $0x1  }
0xa3: {  	[sflag:s23] =	ssyncset.done $0x0  }
0xa4: {  	s25 =	simm.s32 $0x1B8E;
	s24 =	sld [smem:$0x3FFE];
	[sflag:s23] =	ssyncadd.s32 $0xFFFFFFFF  }
0xa5: {  	s26 =	simm.s32 $execute0_lowered;
	[smem:$0x3FD2] =	sst s25  }
0xa6: {  	s5 =	sshll.u32 s26, $0x1;
	_ =	strace $0x80000046;
	[dreg:$0x1] =	wrdreg $0xFFFFFFFF  }
0xa7: {  	s28 =	simm.s32 $_size_execute0_lowered;
	s3 =	sadd.s32 s3, s5;
	[dreg:$0x0] =	wrdreg $0x0  }
0xa8: {  	s5 =	sshll.u32 s28, $0x1;
	[dreg:$0x2] =	wrdreg s3  }
0xa9: {  	[dreg:$0x3] =	wrdreg s5  }
0xaa: {  	[dreg:$0x4] =	wrdreg $0xC0  }
0xab: {  	_ =	task [dreg:s7], $0x5FFFF  }
0xac: {  	[dreg:$0x1] =	wrdreg $0xFFFFFFFF  }
0xad: {  	[dreg:$0x0] =	wrdreg $0x60  }
0xae: {  	[dreg:$0x2] =	wrdreg s24  }
0xaf: {  	[dreg:$0x3] =	wrdreg s2  }
0xb0: {  	[dreg:$0x4] =	wrdreg $0x9  }
0xb1: {  	_ =	task.clear_ibuf [dreg:s7], $0x5FFFF;
	_ =	strace $0x90000046  }
0xb2: {  	s29 =	simm.s32 $0x9;
	_ =	strace $0x80000048  }
0xb3: {  	_ =	swait.ge [sflag:s29], $0x1  }
0xb4: {  	[sflag:s29] =	ssyncadd.s32 $0xFFFFFFFF  }
0xb5: {  	_ =	strace $0x90000048  }
0xb6: {  	_ =	sfence  }
0xb7: {  	s30 =	sld [smem:$0x0];
	_ =	sdelay $0x2  }
0xb8: {  	s31 =	sshll.u32 s1, $0xD;
	s1 =	sshrl.u32 s1, $0x2  }
0xb9: {  	s3 =	sand.u32 $0x4000, s31;
	s1 =	sadd.s32 s1, s30  }
0xba: {  	s0 =	sor.u32 s3, s0;
	s1 =	sshll.u32 s1, $0x11  }
0xbb: {  	s0 =	sor.u32 s1, s0  }
0xbc: {  	s0 =	sadd.s32 $0x8F2B, s0  }
0xbd: {  	[sflag:s0] =	ssyncadd.remote.s32 $0x1  }
0xbe: {  	_ =	sfence.sel $0xFFFF  }
0xbf: {  	[dreg:$0x0] =	wrdreg $0xFFFFFFFF;
	(pc) =	sbr.abs _section_cstart, $3  }
0xc0: {  	[dreg:$0x1] =	wrdreg $0xFFFFFFFF  }
0xc1: {  	_ =	task.clear_ibuf [dreg:s7], $0x2FFFF;
	_ =	strace $0x9FFFFFFF  }
0xc2: {  	(tm) =	ssettm $0x7FFFFFFF  }
0xc3: {  	_ =	shalt  }
tec
execute0_lowered:
.L_overlay_start_1:
0x0: {  	(tag) =	ssettag $0x1  }
0x1: {  	s0 =	rddreg [dreg:$0x0];
	s1 =	srdreg.scid  }
0x2: {  	s9 =	stileid.u32;
	s4 =	rddreg [dreg:$0x1]  }
0x3: {  	s2 =	simm.s32 $0x0;
	s22 =	simm.s32 $0x7000;
	s23 =	simm.s32 $0x7800  }
0x4: {  	s24 =	simm.s32 $0x8000;
	s25 =	simm.s32 $0x8800;
	s28 =	simm.s32 $0x9800  }
0x5: {  	s29 =	simm.s32 $0xA000;
	s30 =	simm.s32 $0xA800;
	s31 =	simm.s32 $0xB000  }
0x6: {  	s10 =	simm.s32 $0xE000;
	s11 =	simm.s32 $0xE800;
	s12 =	simm.s32 $0xF000  }
0x7: {  	s13 =	simm.s32 $0xF800;
	s15 =	simm.s32 $0x1;
	s16 =	simm.s32 $0x2  }
0x8: {  	s17 =	simm.s32 $0x3;
	s18 =	simm.s32 $0x4;
	s20 =	simm.s32 $0x0  }
0x9: {  	s1 =	sand.u32 $0x1, s1;
	s3 =	sshll.u32 s9, $0x1;
	[smem:$0x7FF] =	sst s2  }
0xa: {  	s26 =	sshll.u32 s9, $0x12;
	s9 =	simm.s32 $0x800;
	s5 =	sor.u32 s1, s3  }
0xb: {  	s6 =	ssub.s32 $0x2, s1;
	_ =	strace $0x80000047;
	s1 =	sshll.u32 s1, $0x11  }
0xc: {  	s3 =	sshll.u32 s5, $0x8;
	s8 =	sshrl.u32 s6, $0x1;
	s14 =	smul.u32 $0xC, s5  }
0xd: {  	s5 =	sadd.s32 $0x2900, s0;
	s7 =	sadd.s32 s3, s0;
	s3 =	sadd.s32 $0x2800, s0  }
.Ltmp0:
0xe: {  	s6 =	ssub.s32 s6, s8;
	s0 =	sadd.s32 s26, s4;
	(pc) =	sbr.rel .LBB2_1-.Ltmp0, $4  }
0xf: {  	s26 =	simm.s32 $0x9000;
	s4 =	simm.s32 $0xC800;
	s7 =	sadd.s32 $0x800, s7  }
0x10: {  	v3 =	vlaneseq.u32;
	s8 =	simm.s32 $0xD800;
	s6 =	smax.u32 s6, $0x1;
	[dreg:$0x3] =	wrdreg s7  }
0x11: {  	vm0 =	vmmov $0xffff;
	v2 =	vshrl.u32 v3, $0x3;
	v0 =	vmov s14;
	s14 =	simm.s32 $0x10000;
	[dreg:$0x4] =	wrdreg s6;
	s7 =	sadd.s32 s1, s0  }
0x12: {  	v1 =	vand.u32 $0x7, v3;
	v3 =	vor.u32 $0x8, v3;
	v2 =	vmul.u32 $0x8, v2;
	s1 =	simm.s32 $0xB800;
	s0 =	simm.s32 $0xC000;
	s6 =	simm.s32 $0xD000  }
.LBB2_6:
0x13: {  	_ =	swait.ge [sflag:s17], $0x8000  }
0x14: {  	[sflag:s17] =	ssyncset.done $0x0  }
0x15: {  	[sflag:s17] =	ssyncadd.s32 $0xFFFF8000  }
0x16: {  	_ =	swait.ge [sflag:s18], $0x8000  }
0x17: {  	s20 =	rddreg [dreg:$0x5]  }
0x18: {  	s19 =	rddreg [dreg:$0x4];
	s20 =	sadd.s32 $0x1, s20  }
0x19: {  	p0 =	sne.s32 s20, s19  }
.Ltmp1:
0x1a: {  	_ = 	snop;
	(pc) =	sbr.rel @!p0 .LBB2_7-.Ltmp1, $3  }
0x1b: {  	_ =	sdelay $0x1  }
0x1c: {  	[sflag:s18] =	ssyncset.done $0x0  }
0x1d: {  	[sflag:s18] =	ssyncadd.s32 $0xFFFF8000  }
.LBB2_1:
0x1e: {  	[dreg:$0x5] =	wrdreg s20  }
0x1f: {  	s19 =	rddreg [dreg:$0x3];
	s21 =	simm.s32 $0x5  }
0x20: {  	[tilespmem:s2], [sflag:$0x5] =	stream.linear.gather [hbm4b:s19+s2], $0x800, $0x38;
	[tilespmem:$0x10800] =	vst v63  }
0x21: {  	_ =	swait.ge [sflag:s21], $0x800  }
0x22: {  	[sflag:s21] =	ssyncset.done $0x0  }
0x23: {  	s19 =	simm.s32 $0x40;
	[sflag:s21] =	ssyncadd.s32 $0xFFFFF800  }
0x24: {  	v6 =	vld [tilespmem:s19+$0xFFFFFFC0]  }
0x25: {  	v7 =	vld [tilespmem:s19+$0xFFFFFFD0]  }
0x26: {  	v8 =	vld [tilespmem:s19+$0xFFFFFFE0]  }
0x27: {  	v5 =	vld [tilespmem:s19+$0x0]  }
0x28: {  	v4 =	vld [tilespmem:s19+$0x10]  }
0x29: {  	v9 =	vadd.s32 v0, v6;
	v6 =	vld [tilespmem:s19+$0x20]  }
0x2a: {  	[tilespmem:s19+$0xFFFFFFC0] =	vst v9;
	v9 =	vadd.s32 v0, v7;
	v7 =	vld [tilespmem:s19+$0x30]  }
0x2b: {  	s20 =	simm.s32 $0x0;
	s21 =	simm.s32 $0xC0;
	[tilespmem:s19+$0xFFFFFFD0] =	vst v9;
	v9 =	vadd.s32 v0, v8;
	v8 =	vld [tilespmem:s19+$0xFFFFFFF0]  }
.LBB2_2:
0x2c: {  	v10 =	vld [tilespmem:s21+$0xFFFFFFC0];
	[tilespmem:s19+$0xFFFFFFE0] =	vst v9;
	v5 =	vadd.s32 v0, v5  }
0x2d: {  	s20 =	sadd.s32 $0x8, s20;
	v9 =	vld [tilespmem:s21+$0xFFFFFFD0];
	[tilespmem:s19+$0x0] =	vst v5;
	v4 =	vadd.s32 v0, v4  }
0x2e: {  	p0 =	slt.u32 s20, $0x78;
	v11 =	vld [tilespmem:s21+$0xFFFFFFE0];
	[tilespmem:s19+$0x10] =	vst v4;
	v4 =	vadd.s32 v0, v6  }
.Ltmp2:
0x2f: {  	v5 =	vld [tilespmem:s21+$0x0];
	[tilespmem:s19+$0x20] =	vst v4;
	v6 =	vadd.s32 v0, v7;
	(pc) =	sbr.rel @p0 .LBB2_2-.Ltmp2, $4  }
0x30: {  	v4 =	vld [tilespmem:s21+$0x10];
	v7 =	vadd.s32 v0, v8;
	[tilespmem:s19+$0x30] =	vst v6  }
0x31: {  	v8 =	vadd.s32 v0, v10;
	v6 =	vld [tilespmem:s21+$0x20];
	[tilespmem:s19+$0xFFFFFFF0] =	vst v7;
	s19 =	smov.u32 s21  }
0x32: {  	[tilespmem:s21+$0xFFFFFFC0] =	vst v8;
	v8 =	vadd.s32 v0, v9;
	v7 =	vld [tilespmem:s21+$0x30]  }
0x33: {  	s21 =	sadd.s32 $0x80, s21;
	[tilespmem:s19+$0xFFFFFFD0] =	vst v8;
	v9 =	vadd.s32 v0, v11;
	v8 =	vld [tilespmem:s19+$0xFFFFFFF0]  }
0x34: {  	[tilespmem:s19+$0xFFFFFFE0] =	vst v9;
	v5 =	vadd.s32 v0, v5  }
0x35: {  	[tilespmem:s19+$0x0] =	vst v5;
	v4 =	vadd.s32 v0, v4  }
0x36: {  	[tilespmem:s19+$0x10] =	vst v4;
	v4 =	vadd.s32 v0, v6  }
0x37: {  	[tilespmem:s19+$0x20] =	vst v4;
	v4 =	vadd.s32 v0, v7  }
0x38: {  	v5 =	vadd.s32 v0, v8;
	[tilespmem:s19+$0x30] =	vst v4  }
0x39: {  	[tilespmem:s19+$0xFFFFFFF0] =	vst v5  }
0x3a: {  	v4 =	vld [tilespmem:$0x0];
	_ =	sdelay $0x4  }
0x3b: {  	v5 =	vshll.u32 v4, $0x2  }
0x3c: {  	v4 =	vand.u32 $0x7, v4;
	v5 =	vand.u32 $0xFFFFFFE0, v5  }
0x3d: {  	v4 =	vor.u32 v4, v5  }
0x3e: {  	v5 =	vperm.xlane v4, v1;
	_ =	sdelay $0x1  }
0x3f: {  	v5 =	vadd.s32 v2, v5;
	_ =	sdelay $0x1  }
0x40: {  	v4 =	vperm.xlane v4, v3;
	_ =	sdelay $0x1  }
0x41: {  	s19 =	simm.s32 $0x0;
	v4 =	vadd.s32 v2, v4  }
0x42: {  	[tilespmem:s9], [sflag:$0x1] =	stream.indirect_vreg.gather [hbm4b:s3+s19], $0x80, v5, vm0, $0xb8;
	[tilespmem:$0x10800] =	vst v63  }
0x43: {  	s20 =	simm.s32 $0x1000  }
0x44: {  	[tilespmem:s20], [sflag:$0x1] =	stream.indirect_vreg.gather [hbm4b:s5+s19], $0x80, v5, vm0, $0xb8;
	[tilespmem:$0x10800] =	vst v63  }
0x45: {  	s21 =	simm.s32 $0x1800  }
0x46: {  	[tilespmem:s21], [sflag:$0x1] =	stream.indirect_vreg.gather [hbm4b:s3+s19], $0x80, v4, vm0, $0xb8;
	[tilespmem:$0x10800] =	vst v63  }
0x47: {  	s21 =	simm.s32 $0x2000  }
0x48: {  	[tilespmem:s21], [sflag:$0x1] =	stream.indirect_vreg.gather [hbm4b:s5+s19], $0x80, v4, vm0, $0xb8;
	[tilespmem:$0x10800] =	vst v63  }
0x49: {  	v4 =	vld [tilespmem:$0x10];
	_ =	sdelay $0x4  }
0x4a: {  	v5 =	vshll.u32 v4, $0x2  }
0x4b: {  	v4 =	vand.u32 $0x7, v4;
	v5 =	vand.u32 $0xFFFFFFE0, v5  }
0x4c: {  	v4 =	vor.u32 v4, v5  }
0x4d: {  	v5 =	vperm.xlane v4, v1;
	_ =	sdelay $0x1  }
0x4e: {  	v5 =	vadd.s32 v2, v5;
	_ =	sdelay $0x1  }
0x4f: {  	v4 =	vperm.xlane v4, v3;
	_ =	sdelay $0x1  }
0x50: {  	s21 =	simm.s32 $0x2800;
	v4 =	vadd.s32 v2, v4  }
0x51: {  	[tilespmem:s21], [sflag:$0x1] =	stream.indirect_vreg.gather [hbm4b:s3+s19], $0x80, v5, vm0, $0xb8;
	[tilespmem:$0x10800] =	vst v63  }
0x52: {  	s21 =	simm.s32 $0x3000  }
0x53: {  	[tilespmem:s21], [sflag:$0x1] =	stream.indirect_vreg.gather [hbm4b:s5+s19], $0x80, v5, vm0, $0xb8;
	[tilespmem:$0x10800] =	vst v63  }
0x54: {  	s21 =	simm.s32 $0x3800  }
0x55: {  	[tilespmem:s21], [sflag:$0x1] =	stream.indirect_vreg.gather [hbm4b:s3+s19], $0x80, v4, vm0, $0xb8;
	[tilespmem:$0x10800] =	vst v63  }
0x56: {  	s21 =	simm.s32 $0x4000  }
0x57: {  	[tilespmem:s21], [sflag:$0x1] =	stream.indirect_vreg.gather [hbm4b:s5+s19], $0x80, v4, vm0, $0xb8;
	[tilespmem:$0x10800] =	vst v63  }
0x58: {  	v4 =	vld [tilespmem:$0x20];
	_ =	sdelay $0x4  }
0x59: {  	v5 =	vshll.u32 v4, $0x2  }
0x5a: {  	v4 =	vand.u32 $0x7, v4;
	v5 =	vand.u32 $0xFFFFFFE0, v5  }
0x5b: {  	v4 =	vor.u32 v4, v5  }
0x5c: {  	v5 =	vperm.xlane v4, v1;
	_ =	sdelay $0x1  }
0x5d: {  	v5 =	vadd.s32 v2, v5;
	_ =	sdelay $0x1  }
0x5e: {  	v4 =	vperm.xlane v4, v3;
	_ =	sdelay $0x1  }
0x5f: {  	s21 =	simm.s32 $0x4800;
	v4 =	vadd.s32 v2, v4  }
0x60: {  	[tilespmem:s21], [sflag:$0x1] =	stream.indirect_vreg.gather [hbm4b:s3+s19], $0x80, v5, vm0, $0xb8;
	[tilespmem:$0x10800] =	vst v63  }
0x61: {  	s21 =	simm.s32 $0x5000  }
0x62: {  	[tilespmem:s21], [sflag:$0x1] =	stream.indirect_vreg.gather [hbm4b:s5+s19], $0x80, v5, vm0, $0xb8;
	[tilespmem:$0x10800] =	vst v63  }
0x63: {  	s21 =	simm.s32 $0x5800  }
0x64: {  	[tilespmem:s21], [sflag:$0x1] =	stream.indirect_vreg.gather [hbm4b:s3+s19], $0x80, v4, vm0, $0xb8;
	[tilespmem:$0x10800] =	vst v63  }
0x65: {  	s21 =	simm.s32 $0x6000  }
0x66: {  	[tilespmem:s21], [sflag:$0x1] =	stream.indirect_vreg.gather [hbm4b:s5+s19], $0x80, v4, vm0, $0xb8;
	[tilespmem:$0x10800] =	vst v63  }
0x67: {  	v4 =	vld [tilespmem:$0x30];
	_ =	sdelay $0x4  }
0x68: {  	v5 =	vshll.u32 v4, $0x2  }
0x69: {  	v4 =	vand.u32 $0x7, v4;
	v5 =	vand.u32 $0xFFFFFFE0, v5  }
0x6a: {  	v4 =	vor.u32 v4, v5  }
0x6b: {  	v5 =	vperm.xlane v4, v1;
	_ =	sdelay $0x1  }
0x6c: {  	v5 =	vadd.s32 v2, v5;
	_ =	sdelay $0x1  }
0x6d: {  	v4 =	vperm.xlane v4, v3;
	_ =	sdelay $0x1  }
0x6e: {  	s21 =	simm.s32 $0x6800;
	v4 =	vadd.s32 v2, v4  }
0x6f: {  	[tilespmem:s21], [sflag:$0x1] =	stream.indirect_vreg.gather [hbm4b:s3+s19], $0x80, v5, vm0, $0xb8;
	[tilespmem:$0x10800] =	vst v63  }
0x70: {  	_ = 	snop  }
0x71: {  	[tilespmem:s22], [sflag:$0x1] =	stream.indirect_vreg.gather [hbm4b:s5+s19], $0x80, v5, vm0, $0xb8;
	[tilespmem:$0x10800] =	vst v63  }
0x72: {  	_ = 	snop  }
0x73: {  	[tilespmem:s23], [sflag:$0x1] =	stream.indirect_vreg.gather [hbm4b:s3+s19], $0x80, v4, vm0, $0xb8;
	[tilespmem:$0x10800] =	vst v63  }
0x74: {  	_ = 	snop  }
0x75: {  	[tilespmem:s24], [sflag:$0x1] =	stream.indirect_vreg.gather [hbm4b:s5+s19], $0x80, v4, vm0, $0xb8;
	[tilespmem:$0x10800] =	vst v63  }
0x76: {  	v4 =	vld [tilespmem:$0x40];
	_ =	sdelay $0x4  }
0x77: {  	v5 =	vshll.u32 v4, $0x2  }
0x78: {  	v4 =	vand.u32 $0x7, v4;
	v5 =	vand.u32 $0xFFFFFFE0, v5  }
0x79: {  	v4 =	vor.u32 v4, v5  }
0x7a: {  	v5 =	vperm.xlane v4, v1;
	_ =	sdelay $0x1  }
0x7b: {  	v5 =	vadd.s32 v2, v5;
	_ =	sdelay $0x1  }
0x7c: {  	v4 =	vperm.xlane v4, v3;
	_ =	sdelay $0x1  }
0x7d: {  	v4 =	vadd.s32 v2, v4  }
0x7e: {  	[tilespmem:s25], [sflag:$0x2] =	stream.indirect_vreg.gather [hbm4b:s3+s19], $0x80, v5, vm0, $0xb8;
	[tilespmem:$0x10800] =	vst v63  }
0x7f: {  	_ = 	snop  }
0x80: {  	[tilespmem:s26], [sflag:$0x2] =	stream.indirect_vreg.gather [hbm4b:s5+s19], $0x80, v5, vm0, $0xb8;
	[tilespmem:$0x10800] =	vst v63  }
0x81: {  	_ = 	snop  }
0x82: {  	[tilespmem:s28], [sflag:$0x2] =	stream.indirect_vreg.gather [hbm4b:s3+s19], $0x80, v4, vm0, $0xb8;
	[tilespmem:$0x10800] =	vst v63  }
0x83: {  	_ = 	snop  }
0x84: {  	[tilespmem:s29], [sflag:$0x2] =	stream.indirect_vreg.gather [hbm4b:s5+s19], $0x80, v4, vm0, $0xb8;
	[tilespmem:$0x10800] =	vst v63  }
0x85: {  	v4 =	vld [tilespmem:$0x50];
	_ =	sdelay $0x4  }
0x86: {  	v5 =	vshll.u32 v4, $0x2  }
0x87: {  	v4 =	vand.u32 $0x7, v4;
	v5 =	vand.u32 $0xFFFFFFE0, v5  }
0x88: {  	v4 =	vor.u32 v4, v5  }
0x89: {  	v5 =	vperm.xlane v4, v1;
	_ =	sdelay $0x1  }
0x8a: {  	v5 =	vadd.s32 v2, v5;
	_ =	sdelay $0x1  }
0x8b: {  	v4 =	vperm.xlane v4, v3;
	_ =	sdelay $0x1  }
0x8c: {  	v4 =	vadd.s32 v2, v4  }
0x8d: {  	[tilespmem:s30], [sflag:$0x2] =	stream.indirect_vreg.gather [hbm4b:s3+s19], $0x80, v5, vm0, $0xb8;
	[tilespmem:$0x10800] =	vst v63  }
0x8e: {  	_ = 	snop  }
0x8f: {  	[tilespmem:s31], [sflag:$0x2] =	stream.indirect_vreg.gather [hbm4b:s5+s19], $0x80, v5, vm0, $0xb8;
	[tilespmem:$0x10800] =	vst v63  }
0x90: {  	_ = 	snop  }
0x91: {  	[tilespmem:s1], [sflag:$0x2] =	stream.indirect_vreg.gather [hbm4b:s3+s19], $0x80, v4, vm0, $0xb8;
	[tilespmem:$0x10800] =	vst v63  }
0x92: {  	_ = 	snop  }
0x93: {  	[tilespmem:s0], [sflag:$0x2] =	stream.indirect_vreg.gather [hbm4b:s5+s19], $0x80, v4, vm0, $0xb8;
	[tilespmem:$0x10800] =	vst v63  }
0x94: {  	v4 =	vld [tilespmem:$0x60];
	_ =	sdelay $0x4  }
0x95: {  	v5 =	vshll.u32 v4, $0x2  }
0x96: {  	v4 =	vand.u32 $0x7, v4;
	v5 =	vand.u32 $0xFFFFFFE0, v5  }
0x97: {  	v4 =	vor.u32 v4, v5  }
0x98: {  	v5 =	vperm.xlane v4, v1;
	_ =	sdelay $0x1  }
0x99: {  	v5 =	vadd.s32 v2, v5;
	_ =	sdelay $0x1  }
0x9a: {  	v4 =	vperm.xlane v4, v3;
	_ =	sdelay $0x1  }
0x9b: {  	v4 =	vadd.s32 v2, v4  }
0x9c: {  	[tilespmem:s4], [sflag:$0x2] =	stream.indirect_vreg.gather [hbm4b:s3+s19], $0x80, v5, vm0, $0xb8;
	[tilespmem:$0x10800] =	vst v63  }
0x9d: {  	_ = 	snop  }
0x9e: {  	[tilespmem:s6], [sflag:$0x2] =	stream.indirect_vreg.gather [hbm4b:s5+s19], $0x80, v5, vm0, $0xb8;
	[tilespmem:$0x10800] =	vst v63  }
0x9f: {  	_ = 	snop  }
0xa0: {  	[tilespmem:s8], [sflag:$0x2] =	stream.indirect_vreg.gather [hbm4b:s3+s19], $0x80, v4, vm0, $0xb8;
	[tilespmem:$0x10800] =	vst v63  }
0xa1: {  	_ = 	snop  }
0xa2: {  	[tilespmem:s10], [sflag:$0x2] =	stream.indirect_vreg.gather [hbm4b:s5+s19], $0x80, v4, vm0, $0xb8;
	[tilespmem:$0x10800] =	vst v63  }
0xa3: {  	v4 =	vld [tilespmem:$0x70];
	_ =	sdelay $0x4  }
0xa4: {  	v5 =	vshll.u32 v4, $0x2  }
0xa5: {  	v4 =	vand.u32 $0x7, v4;
	v5 =	vand.u32 $0xFFFFFFE0, v5  }
0xa6: {  	v4 =	vor.u32 v4, v5  }
0xa7: {  	v5 =	vperm.xlane v4, v1;
	_ =	sdelay $0x1  }
0xa8: {  	v5 =	vadd.s32 v2, v5;
	_ =	sdelay $0x1  }
0xa9: {  	v4 =	vperm.xlane v4, v3;
	_ =	sdelay $0x1  }
0xaa: {  	v4 =	vadd.s32 v2, v4  }
0xab: {  	[tilespmem:s11], [sflag:$0x2] =	stream.indirect_vreg.gather [hbm4b:s3+s19], $0x80, v5, vm0, $0xb8;
	[tilespmem:$0x10800] =	vst v63  }
0xac: {  	_ = 	snop  }
0xad: {  	[tilespmem:s12], [sflag:$0x2] =	stream.indirect_vreg.gather [hbm4b:s5+s19], $0x80, v5, vm0, $0xb8;
	[tilespmem:$0x10800] =	vst v63  }
0xae: {  	_ = 	snop  }
0xaf: {  	[tilespmem:s13], [sflag:$0x2] =	stream.indirect_vreg.gather [hbm4b:s3+s19], $0x80, v4, vm0, $0xb8;
	[tilespmem:$0x10800] =	vst v63  }
0xb0: {  	s20 =	simm.s32 $0xF0  }
0xb1: {  	[tilespmem:s14], [sflag:$0x2] =	stream.indirect_vreg.gather [hbm4b:s5+s19], $0x80, v4, vm0, $0xb8;
	[tilespmem:$0x10800] =	vst v63  }
.LBB2_4:
0xb2: {  	_ =	swait.ge [sflag:s15], $0x8000  }
0xb3: {  	[sflag:s15] =	ssyncset.done $0x0  }
0xb4: {  	s21 =	sadd.s32 s19, s7;
	p0 =	seq.s32 s19, $0x1E000;
	[sflag:s15] =	ssyncadd.s32 $0xFFFF8000  }
0xb5: {  	[hbm4b:s21+s2] =	stream.linear.scatter [tilespmem:s9], [sflag:$0x3], $0x8000, $0x38;
	[tilespmem:$0x10800] =	vst v63  }
.Ltmp3:
0xb6: {  	_ = 	snop;
	(pc) =	sbr.rel @p0 .LBB2_6-.Ltmp3, $4  }
0xb7: {  	_ =	swait.ge [sflag:s16], $0x8000  }
0xb8: {  	[sflag:s16] =	ssyncset.done $0x0  }
0xb9: {  	s21 =	sadd.s32 $0x1000, s21;
	[sflag:s16] =	ssyncadd.s32 $0xFFFF8000  }
0xba: {  	[hbm4b:s21+s2] =	stream.linear.scatter [tilespmem:s25], [sflag:$0x4], $0x8000, $0x38;
	[tilespmem:$0x10800] =	vst v63  }
0xbb: {  	_ =	swait.ge [sflag:s17], $0x8000  }
0xbc: {  	[sflag:s17] =	ssyncset.done $0x0  }
0xbd: {  	[sflag:s17] =	ssyncadd.s32 $0xFFFF8000  }
0xbe: {  	v4 =	vld [tilespmem:s20+$0xFFFFFF90];
	_ =	sdelay $0x4  }
0xbf: {  	v5 =	vshll.u32 v4, $0x2  }
0xc0: {  	v4 =	vand.u32 $0x7, v4;
	v5 =	vand.u32 $0xFFFFFFE0, v5  }
0xc1: {  	v4 =	vor.u32 v4, v5  }
0xc2: {  	v5 =	vperm.xlane v4, v1;
	_ =	sdelay $0x1  }
0xc3: {  	v5 =	vadd.s32 v2, v5;
	_ =	sdelay $0x1  }
0xc4: {  	v4 =	vperm.xlane v4, v3;
	_ =	sdelay $0x1  }
0xc5: {  	v4 =	vadd.s32 v2, v4  }
0xc6: {  	[tilespmem:s9], [sflag:$0x1] =	stream.indirect_vreg.gather [hbm4b:s3+s2], $0x80, v5, vm0, $0xb8;
	[tilespmem:$0x10800] =	vst v63  }
0xc7: {  	s21 =	simm.s32 $0x1000  }
0xc8: {  	[tilespmem:s21], [sflag:$0x1] =	stream.indirect_vreg.gather [hbm4b:s5+s2], $0x80, v5, vm0, $0xb8;
	[tilespmem:$0x10800] =	vst v63  }
0xc9: {  	s21 =	simm.s32 $0x1800  }
0xca: {  	[tilespmem:s21], [sflag:$0x1] =	stream.indirect_vreg.gather [hbm4b:s3+s2], $0x80, v4, vm0, $0xb8;
	[tilespmem:$0x10800] =	vst v63  }
0xcb: {  	s21 =	simm.s32 $0x2000  }
0xcc: {  	[tilespmem:s21], [sflag:$0x1] =	stream.indirect_vreg.gather [hbm4b:s5+s2], $0x80, v4, vm0, $0xb8;
	[tilespmem:$0x10800] =	vst v63  }
0xcd: {  	v4 =	vld [tilespmem:s20+$0xFFFFFFA0];
	_ =	sdelay $0x4  }
0xce: {  	v5 =	vshll.u32 v4, $0x2  }
0xcf: {  	v4 =	vand.u32 $0x7, v4;
	v5 =	vand.u32 $0xFFFFFFE0, v5  }
0xd0: {  	v4 =	vor.u32 v4, v5  }
0xd1: {  	v5 =	vperm.xlane v4, v1;
	_ =	sdelay $0x1  }
0xd2: {  	v5 =	vadd.s32 v2, v5;
	_ =	sdelay $0x1  }
0xd3: {  	v4 =	vperm.xlane v4, v3;
	_ =	sdelay $0x1  }
0xd4: {  	s21 =	simm.s32 $0x2800;
	v4 =	vadd.s32 v2, v4  }
0xd5: {  	[tilespmem:s21], [sflag:$0x1] =	stream.indirect_vreg.gather [hbm4b:s3+s2], $0x80, v5, vm0, $0xb8;
	[tilespmem:$0x10800] =	vst v63  }
0xd6: {  	s21 =	simm.s32 $0x3000  }
0xd7: {  	[tilespmem:s21], [sflag:$0x1] =	stream.indirect_vreg.gather [hbm4b:s5+s2], $0x80, v5, vm0, $0xb8;
	[tilespmem:$0x10800] =	vst v63  }
0xd8: {  	s21 =	simm.s32 $0x3800  }
0xd9: {  	[tilespmem:s21], [sflag:$0x1] =	stream.indirect_vreg.gather [hbm4b:s3+s2], $0x80, v4, vm0, $0xb8;
	[tilespmem:$0x10800] =	vst v63  }
0xda: {  	s21 =	simm.s32 $0x4000  }
0xdb: {  	[tilespmem:s21], [sflag:$0x1] =	stream.indirect_vreg.gather [hbm4b:s5+s2], $0x80, v4, vm0, $0xb8;
	[tilespmem:$0x10800] =	vst v63  }
0xdc: {  	v4 =	vld [tilespmem:s20+$0xFFFFFFB0];
	_ =	sdelay $0x4  }
0xdd: {  	v5 =	vshll.u32 v4, $0x2  }
0xde: {  	v4 =	vand.u32 $0x7, v4;
	v5 =	vand.u32 $0xFFFFFFE0, v5  }
0xdf: {  	v4 =	vor.u32 v4, v5  }
0xe0: {  	v5 =	vperm.xlane v4, v1;
	_ =	sdelay $0x1  }
0xe1: {  	v5 =	vadd.s32 v2, v5;
	_ =	sdelay $0x1  }
0xe2: {  	v4 =	vperm.xlane v4, v3;
	_ =	sdelay $0x1  }
0xe3: {  	s21 =	simm.s32 $0x4800;
	v4 =	vadd.s32 v2, v4  }
0xe4: {  	[tilespmem:s21], [sflag:$0x1] =	stream.indirect_vreg.gather [hbm4b:s3+s2], $0x80, v5, vm0, $0xb8;
	[tilespmem:$0x10800] =	vst v63  }
0xe5: {  	s21 =	simm.s32 $0x5000  }
0xe6: {  	[tilespmem:s21], [sflag:$0x1] =	stream.indirect_vreg.gather [hbm4b:s5+s2], $0x80, v5, vm0, $0xb8;
	[tilespmem:$0x10800] =	vst v63  }
0xe7: {  	s21 =	simm.s32 $0x5800  }
0xe8: {  	[tilespmem:s21], [sflag:$0x1] =	stream.indirect_vreg.gather [hbm4b:s3+s2], $0x80, v4, vm0, $0xb8;
	[tilespmem:$0x10800] =	vst v63  }
0xe9: {  	s21 =	simm.s32 $0x6000  }
0xea: {  	[tilespmem:s21], [sflag:$0x1] =	stream.indirect_vreg.gather [hbm4b:s5+s2], $0x80, v4, vm0, $0xb8;
	[tilespmem:$0x10800] =	vst v63  }
0xeb: {  	v4 =	vld [tilespmem:s20+$0xFFFFFFC0];
	_ =	sdelay $0x4  }
0xec: {  	v5 =	vshll.u32 v4, $0x2  }
0xed: {  	v4 =	vand.u32 $0x7, v4;
	v5 =	vand.u32 $0xFFFFFFE0, v5  }
0xee: {  	v4 =	vor.u32 v4, v5  }
0xef: {  	v5 =	vperm.xlane v4, v1;
	_ =	sdelay $0x1  }
0xf0: {  	v5 =	vadd.s32 v2, v5;
	_ =	sdelay $0x1  }
0xf1: {  	v4 =	vperm.xlane v4, v3;
	_ =	sdelay $0x1  }
0xf2: {  	s21 =	simm.s32 $0x6800;
	v4 =	vadd.s32 v2, v4  }
0xf3: {  	[tilespmem:s21], [sflag:$0x1] =	stream.indirect_vreg.gather [hbm4b:s3+s2], $0x80, v5, vm0, $0xb8;
	[tilespmem:$0x10800] =	vst v63  }
0xf4: {  	_ = 	snop  }
0xf5: {  	[tilespmem:s22], [sflag:$0x1] =	stream.indirect_vreg.gather [hbm4b:s5+s2], $0x80, v5, vm0, $0xb8;
	[tilespmem:$0x10800] =	vst v63  }
0xf6: {  	_ = 	snop  }
0xf7: {  	[tilespmem:s23], [sflag:$0x1] =	stream.indirect_vreg.gather [hbm4b:s3+s2], $0x80, v4, vm0, $0xb8;
	[tilespmem:$0x10800] =	vst v63  }
0xf8: {  	_ = 	snop  }
0xf9: {  	[tilespmem:s24], [sflag:$0x1] =	stream.indirect_vreg.gather [hbm4b:s5+s2], $0x80, v4, vm0, $0xb8;
	[tilespmem:$0x10800] =	vst v63  }
0xfa: {  	_ =	swait.ge [sflag:s18], $0x8000  }
0xfb: {  	[sflag:s18] =	ssyncset.done $0x0  }
0xfc: {  	[sflag:s18] =	ssyncadd.s32 $0xFFFF8000  }
0xfd: {  	v4 =	vld [tilespmem:s20+$0xFFFFFFD0];
	_ =	sdelay $0x4  }
0xfe: {  	v5 =	vshll.u32 v4, $0x2  }
0xff: {  	v4 =	vand.u32 $0x7, v4;
	v5 =	vand.u32 $0xFFFFFFE0, v5  }
0x100: {  	v4 =	vor.u32 v4, v5  }
0x101: {  	v5 =	vperm.xlane v4, v1;
	_ =	sdelay $0x1  }
0x102: {  	v5 =	vadd.s32 v2, v5;
	_ =	sdelay $0x1  }
0x103: {  	v4 =	vperm.xlane v4, v3;
	_ =	sdelay $0x1  }
0x104: {  	v4 =	vadd.s32 v2, v4  }
0x105: {  	[tilespmem:s25], [sflag:$0x2] =	stream.indirect_vreg.gather [hbm4b:s3+s2], $0x80, v5, vm0, $0xb8;
	[tilespmem:$0x10800] =	vst v63  }
0x106: {  	_ = 	snop  }
0x107: {  	[tilespmem:s26], [sflag:$0x2] =	stream.indirect_vreg.gather [hbm4b:s5+s2], $0x80, v5, vm0, $0xb8;
	[tilespmem:$0x10800] =	vst v63  }
0x108: {  	_ = 	snop  }
0x109: {  	[tilespmem:s28], [sflag:$0x2] =	stream.indirect_vreg.gather [hbm4b:s3+s2], $0x80, v4, vm0, $0xb8;
	[tilespmem:$0x10800] =	vst v63  }
0x10a: {  	_ = 	snop  }
0x10b: {  	[tilespmem:s29], [sflag:$0x2] =	stream.indirect_vreg.gather [hbm4b:s5+s2], $0x80, v4, vm0, $0xb8;
	[tilespmem:$0x10800] =	vst v63  }
0x10c: {  	v4 =	vld [tilespmem:s20+$0xFFFFFFE0];
	_ =	sdelay $0x4  }
0x10d: {  	v5 =	vshll.u32 v4, $0x2  }
0x10e: {  	v4 =	vand.u32 $0x7, v4;
	v5 =	vand.u32 $0xFFFFFFE0, v5  }
0x10f: {  	v4 =	vor.u32 v4, v5  }
0x110: {  	v5 =	vperm.xlane v4, v1;
	_ =	sdelay $0x1  }
0x111: {  	v5 =	vadd.s32 v2, v5;
	_ =	sdelay $0x1  }
0x112: {  	v4 =	vperm.xlane v4, v3;
	_ =	sdelay $0x1  }
0x113: {  	v4 =	vadd.s32 v2, v4  }
0x114: {  	[tilespmem:s30], [sflag:$0x2] =	stream.indirect_vreg.gather [hbm4b:s3+s2], $0x80, v5, vm0, $0xb8;
	[tilespmem:$0x10800] =	vst v63  }
0x115: {  	_ = 	snop  }
0x116: {  	[tilespmem:s31], [sflag:$0x2] =	stream.indirect_vreg.gather [hbm4b:s5+s2], $0x80, v5, vm0, $0xb8;
	[tilespmem:$0x10800] =	vst v63  }
0x117: {  	_ = 	snop  }
0x118: {  	[tilespmem:s1], [sflag:$0x2] =	stream.indirect_vreg.gather [hbm4b:s3+s2], $0x80, v4, vm0, $0xb8;
	[tilespmem:$0x10800] =	vst v63  }
0x119: {  	_ = 	snop  }
0x11a: {  	[tilespmem:s0], [sflag:$0x2] =	stream.indirect_vreg.gather [hbm4b:s5+s2], $0x80, v4, vm0, $0xb8;
	[tilespmem:$0x10800] =	vst v63  }
0x11b: {  	v4 =	vld [tilespmem:s20+$0xFFFFFFF0];
	_ =	sdelay $0x4  }
0x11c: {  	v5 =	vshll.u32 v4, $0x2  }
0x11d: {  	v4 =	vand.u32 $0x7, v4;
	v5 =	vand.u32 $0xFFFFFFE0, v5  }
0x11e: {  	v4 =	vor.u32 v4, v5  }
0x11f: {  	v5 =	vperm.xlane v4, v1;
	_ =	sdelay $0x1  }
0x120: {  	v5 =	vadd.s32 v2, v5;
	_ =	sdelay $0x1  }
0x121: {  	v4 =	vperm.xlane v4, v3;
	_ =	sdelay $0x1  }
0x122: {  	v4 =	vadd.s32 v2, v4  }
0x123: {  	[tilespmem:s4], [sflag:$0x2] =	stream.indirect_vreg.gather [hbm4b:s3+s2], $0x80, v5, vm0, $0xb8;
	[tilespmem:$0x10800] =	vst v63  }
0x124: {  	_ = 	snop  }
0x125: {  	[tilespmem:s6], [sflag:$0x2] =	stream.indirect_vreg.gather [hbm4b:s5+s2], $0x80, v5, vm0, $0xb8;
	[tilespmem:$0x10800] =	vst v63  }
0x126: {  	_ = 	snop  }
0x127: {  	[tilespmem:s8], [sflag:$0x2] =	stream.indirect_vreg.gather [hbm4b:s3+s2], $0x80, v4, vm0, $0xb8;
	[tilespmem:$0x10800] =	vst v63  }
0x128: {  	_ = 	snop  }
0x129: {  	[tilespmem:s10], [sflag:$0x2] =	stream.indirect_vreg.gather [hbm4b:s5+s2], $0x80, v4, vm0, $0xb8;
	[tilespmem:$0x10800] =	vst v63  }
0x12a: {  	v4 =	vld [tilespmem:s20+$0x0];
	_ =	sdelay $0x4  }
0x12b: {  	v5 =	vshll.u32 v4, $0x2  }
0x12c: {  	v4 =	vand.u32 $0x7, v4;
	v5 =	vand.u32 $0xFFFFFFE0, v5  }
0x12d: {  	v4 =	vor.u32 v4, v5  }
0x12e: {  	v5 =	vperm.xlane v4, v1;
	_ =	sdelay $0x1  }
0x12f: {  	v5 =	vadd.s32 v2, v5;
	_ =	sdelay $0x2  }
0x130: {  	v4 =	vperm.xlane v4, v3  }
0x131: {  	s19 =	sadd.s32 $0x2000, s19  }
0x132: {  	v4 =	vadd.s32 v2, v4;
	[tilespmem:s11], [sflag:$0x2] =	stream.indirect_vreg.gather [hbm4b:s3+s2], $0x80, v5, vm0, $0xb8;
	[tilespmem:$0x10800] =	vst v63  }
0x133: {  	p0 =	sne.s32 s19, $0x20000  }
0x134: {  	[tilespmem:s12], [sflag:$0x2] =	stream.indirect_vreg.gather [hbm4b:s5+s2], $0x80, v5, vm0, $0xb8;
	[tilespmem:$0x10800] =	vst v63  }
.Ltmp4:
0x135: {  	_ = 	snop;
	(pc) =	sbr.rel @p0 .LBB2_4-.Ltmp4, $4  }
.Ltmp5:
0x136: {  	_ = 	snop;
	(pc) =	sbr.rel @!p0 .LBB2_6-.Ltmp5, $4  }
0x137: {  	[tilespmem:s13], [sflag:$0x2] =	stream.indirect_vreg.gather [hbm4b:s3+s2], $0x80, v4, vm0, $0xb8;
	[tilespmem:$0x10800] =	vst v63  }
0x138: {  	s20 =	sadd.s32 $0x80, s20  }
0x139: {  	[tilespmem:s14], [sflag:$0x2] =	stream.indirect_vreg.gather [hbm4b:s5+s2], $0x80, v4, vm0, $0xb8;
	[tilespmem:$0x10800] =	vst v63  }
0x13a: {  	_ = 	snop  }
.LBB2_7:
0x13b: {  	_ =	sfence.sel $0x180000  }
0x13c: {  	[bflag:$0x0] =	sbarrier.arrive $0xFFFF  }
0x13d: {  	_ =	strace $0x90000047  }
0x13e: {  	s0 =	stileid.u32;
	[bflag:$0x2] =	sbarrier.arrive $0xFFFF  }
0x13f: {  	p0 =	sne.s32 s0, $0x0;
	s0 =	rddreg [dreg:$0x2]  }
0x140: {  	s0 =	sadd.s32 @!p0 $0x100000, s0  }
0x141: {  	[sflag:s0] =	ssyncadd.tile.s32 @!p0 $0x1;
	_ =	shalt  }
.Lfunc_end2:
_tile_overlayer_lowered:
.L_overlay_start_2:
0x142: {  	(tag) =	ssettag $0x2  }
0x143: {  	s0 =	rddreg [dreg:$0x0];
	s2 =	stileid.u32  }
0x144: {  	s1 =	rddreg [dreg:$0x1];
	p0 =	sne.s32 s2, $0x0  }
0x145: {  	s3 =	rddreg [dreg:$0x2];
	[bflag:$0x3] =	sbarrier.arrive $0xFFFF;
	s2 =	simm.s32 @!p0 $0x1C05  }
0x146: {  	[timem:s3], [sflag:s2] =	dma.local @!p0 [hbm:s0], s1  }
0x147: {  	s0 =	simm.s32 @!p0 $0x5  }
0x148: {  	_ =	swait.ge @!p0 [sflag:s0], s1  }
0x149: {  	s1 =	ssub.s32 @!p0 $0x0, s1;
	[sflag:s0] =	ssyncset.done @!p0 $0x0  }
0x14a: {  	[sflag:s0] =	ssyncadd.s32 @!p0 s1  }
0x14b: {  	[bflag:$0x3] =	sbarrier.arrive $0xFFFF  }
0x14c: {  	_ =	shalt  }

</sc_bundles>
